<compile_context>
chip_gen: v7x
topology: tpu7x:2x2x1
jax: 0.10.2.dev20260603
libtpu: 0.0.44.dev20260713+nightly
codegen_flags: <defaults>
</compile_context>

<pallas_src>
import functools

import jax
import jax.numpy as jnp
from jax import lax
from jax.experimental import pallas as pl
from jax.experimental.pallas import tpu as pltpu
from jax.experimental.pallas import tpu_sc as plsc

VOCAB = 1000000
MAXLEN = 200
EMBED_DIM = 64
BATCH = 4096

NC = 2
NS = 16
NW = NC * NS
BB = BATCH // 128
TT = MAXLEN // 8
TOKENS = BATCH * MAXLEN
PER_W = TOKENS // NW
CHUNK = 128
N_CHUNKS = MAXLEN
LANES = 16
NBUF = 4
DR = EMBED_DIM // 8
PAD = 129


def _body(idx_hbm, table_hbm, pos_hbm, out_hbm, idxb_v, pos_v, *bufs):
    rows = bufs[:NBUF]
    outb = bufs[NBUF:2 * NBUF]
    gsems = bufs[2 * NBUF:3 * NBUF]
    osems = bufs[3 * NBUF:]
    wid = lax.axis_index("s") * NC + lax.axis_index("c")

    pltpu.sync_copy(
        idx_hbm.at[pl.ds(0, MAXLEN), pl.ds(wid * CHUNK, CHUNK)], idxb_v)
    pltpu.sync_copy(pos_hbm, pos_v)

    riota = lax.iota(jnp.int32, LANES)

    def gather(i, s):
        return pltpu.make_async_copy(
            table_hbm.at[idxb_v.at[i]],
            rows[s],
            gsems[s])

    def out_copy(i, s):
        return pltpu.make_async_copy(
            outb[s].at[pl.ds(0, DR), pl.ds(0, 8), pl.ds(0, 128)],
            out_hbm.at[i, pl.ds(0, DR), wid],
            osems[s])

    for s in range(NBUF - 1):
        gather(s, s).start()

    def chunk_body(i0, carry):
        for sl in range(NBUF):
            i = i0 * NBUF + sl
            sp = (sl + NBUF - 1) % NBUF
            pf = i + NBUF - 1

            @pl.when(pf < N_CHUNKS)
            def _():
                gather(pf, sp).start()

            gather(i, sl).wait()

            @pl.when(i >= NBUF)
            def _():
                out_copy(i - NBUF, sl).wait()

            pv = [pos_v[i, pl.ds(c * LANES, LANES)]
                  for c in range(EMBED_DIM // LANES)]
            drv = [lax.shift_right_logical(riota + (c * LANES), 3)
                   for c in range(EMBED_DIM // LANES)]
            div = [lax.bitwise_and(riota + (c * LANES), 7)
                   for c in range(EMBED_DIM // LANES)]

            def add_body(jj, c2):
                b = jj * 2
                for r in range(2):
                    bvec = jnp.full((LANES,), b + r, jnp.int32)
                    for c in range(EMBED_DIM // LANES):
                        v = rows[sl][b + r, pl.ds(c * LANES, LANES)] + pv[c]
                        plsc.store_scatter(
                            outb[sl], [drv[c], div[c], bvec], v)
                return c2

            lax.fori_loop(0, CHUNK // 2, add_body, 0)
            out_copy(i, sl).start()
        return carry

    lax.fori_loop(0, N_CHUNKS // NBUF, chunk_body, 0)
    for s in range(NBUF):
        out_copy(N_CHUNKS - NBUF + s, s).wait()


def kernel(inputs, token_table, pos_table):
    idx1 = jnp.transpose(inputs.astype(jnp.int32))
    mesh = plsc.VectorSubcoreMesh(core_axis_name="c", subcore_axis_name="s")
    fn = functools.partial(
        pl.kernel,
        mesh=mesh,
        compiler_params=pltpu.CompilerParams(use_tc_tiling_on_sc=False,
                                             needs_layout_passes=False),
        out_type=jax.ShapeDtypeStruct((MAXLEN, DR, BB, 8, 128), jnp.float32),
        scratch_types=[
            pltpu.VMEM((MAXLEN, CHUNK), jnp.int32),
            pltpu.VMEM((MAXLEN, EMBED_DIM), jnp.float32),
        ]
        + [pltpu.VMEM((CHUNK, EMBED_DIM), jnp.float32)] * NBUF
        + [pltpu.VMEM((DR, 8, PAD), jnp.float32)] * NBUF
        + [pltpu.SemaphoreType.DMA] * (2 * NBUF),
    )(_body)
    out5 = fn(idx1, token_table, pos_table)
    return jnp.reshape(
        jnp.transpose(out5, (2, 4, 0, 1, 3)), (BATCH, MAXLEN, EMBED_DIM))

# --- scband reference (transcript-rebuilt; emitter-appended) ---
"""Pipeline reference for scband-token-and-position-embedding-31104153157860 (READ-ONLY COPY).

The authoritative reference and input builder live on the scoring server;
editing this copy changes nothing except your own understanding.
"""

import jax, jax.numpy as jnp
import numpy as np

VOCAB = 1000000
MAXLEN = 200
EMBED_DIM = 64
BATCH = 4096

def setup_inputs(seed: int = 0) -> dict:
    key = jax.random.key(seed)
    k1, k2, k3 = jax.random.split(key, 3)
    inputs = jax.random.randint(k1, (BATCH, MAXLEN), 0, VOCAB, dtype=jnp.int64 if jax.config.jax_enable_x64 else jnp.int32)
    token_table = jax.random.normal(k2, (VOCAB, EMBED_DIM), dtype=jnp.float32) * 0.02
    pos_table = jax.random.normal(k3, (MAXLEN, EMBED_DIM), dtype=jnp.float32) * 0.02
    return {"inputs": inputs, "token_table": token_table, "pos_table": pos_table}

def reference(inputs, token_table, pos_table):
    maxlen = inputs.shape[-1]
    positions = jnp.arange(0, maxlen)
    position_embeddings = jnp.take(pos_table, positions, axis=0)  # [maxlen, d]
    token_embeddings = jnp.take(token_table, inputs, axis=0)      # [B, maxlen, d]
    return token_embeddings + position_embeddings[None, :, :]

if __name__ == "__main__":
    import jax
    _d = setup_inputs()
    print(jax.jit(kernel)(*tuple(_d.values())))

</pallas_src>

<mosaic_0001>
#map = affine_map<(d0, d1) -> (0, 0)>
#map1 = affine_map<(d0, d1) -> (0, 0, 0, 0, 0)>
module attributes {stable_mosaic.version = 14 : i64} {
  func.func @_body(%arg0: i32, %arg1: i32, %arg2: memref<200x4096xi32, #tpu.memory_space<hbm>>, %arg3: memref<1000000x64xf32, #tpu.memory_space<hbm>>, %arg4: memref<200x64xf32, #tpu.memory_space<hbm>>, %arg5: memref<200x8x32x8x128xf32, #tpu.memory_space<hbm>>, %arg6: memref<200x128xi32, #tpu.memory_space<vmem>>, %arg7: memref<200x64xf32, #tpu.memory_space<vmem>>, %arg8: memref<128x64xf32, #tpu.memory_space<vmem>>, %arg9: memref<128x64xf32, #tpu.memory_space<vmem>>, %arg10: memref<128x64xf32, #tpu.memory_space<vmem>>, %arg11: memref<128x64xf32, #tpu.memory_space<vmem>>, %arg12: memref<8x8x129xf32, #tpu.memory_space<vmem>>, %arg13: memref<8x8x129xf32, #tpu.memory_space<vmem>>, %arg14: memref<8x8x129xf32, #tpu.memory_space<vmem>>, %arg15: memref<8x8x129xf32, #tpu.memory_space<vmem>>, %arg16: memref<!tpu.dma_semaphore, #tpu.memory_space<semaphore_mem>>, %arg17: memref<!tpu.dma_semaphore, #tpu.memory_space<semaphore_mem>>, %arg18: memref<!tpu.dma_semaphore, #tpu.memory_space<semaphore_mem>>, %arg19: memref<!tpu.dma_semaphore, #tpu.memory_space<semaphore_mem>>, %arg20: memref<!tpu.dma_semaphore, #tpu.memory_space<semaphore_mem>>, %arg21: memref<!tpu.dma_semaphore, #tpu.memory_space<semaphore_mem>>, %arg22: memref<!tpu.dma_semaphore, #tpu.memory_space<semaphore_mem>>, %arg23: memref<!tpu.dma_semaphore, #tpu.memory_space<semaphore_mem>>) attributes {dimension_semantics = [#tpu.dimension_semantics<core_parallel>, #tpu.dimension_semantics<subcore_parallel>], iteration_bounds = array<i64: 2, 16>, scalar_prefetch = 0 : i64, scratch_operands = 18 : i64, tpu.core_type = #tpu.core_type<sc_vector_subcore>, window_params = [{transform_indices = #map}, {transform_indices = #map}, {transform_indices = #map}, {transform_indices = #map1}]} {
    %mul3A = arith.constant 2 : i32
    %mul3A_0 = arith.muli %arg1, %mul3A : i32
    %add3A = arith.addi %mul3A_0, %arg0 : i32
    %mul3A_1 = arith.constant 128 : i32
    %mul3A_2 = arith.muli %add3A, %mul3A_1 : i32
    "tpu.region"() ({
      %run_scoped3A = tpu.sem_alloc : memref<!tpu.dma_semaphore, #tpu.memory_space<semaphore_mem>>
      %dma_start3A_103 = arith.constant 0 : i32
      %dma_start3A_104 = tpu.memref_slice %arg2[%dma_start3A_103, %mul3A_2] : memref<200x4096xi32, #tpu.memory_space<hbm>> -> memref<200x128xi32, #tpu.memory_space<hbm>>
      %dma_start3A_105 = arith.constant 0 : i32
      %dma_start3A_106 = tpu.memref_slice %arg2[%dma_start3A_105, %mul3A_2] : memref<200x4096xi32, #tpu.memory_space<hbm>> -> memref<200x128xi32, #tpu.memory_space<hbm>>
      tpu.enqueue_dma source(%dma_start3A_106 : memref<200x128xi32, #tpu.memory_space<hbm>>) target(%arg6 : memref<200x128xi32, #tpu.memory_space<vmem>>) target_semaphore(%run_scoped3A : memref<!tpu.dma_semaphore, #tpu.memory_space<semaphore_mem>>)
      %dma_wait3A_107 = arith.constant 0 : i32
      %dma_wait3A_108 = tpu.memref_slice %arg2[%dma_wait3A_107, %mul3A_2] : memref<200x4096xi32, #tpu.memory_space<hbm>> -> memref<200x128xi32, #tpu.memory_space<hbm>>
      %dma_wait3A_109 = arith.constant 0 : i32
      %dma_wait3A_110 = tpu.memref_slice %arg2[%dma_wait3A_109, %mul3A_2] : memref<200x4096xi32, #tpu.memory_space<hbm>> -> memref<200x128xi32, #tpu.memory_space<hbm>>
      tpu.wait_dma2 semaphore(%run_scoped3A : memref<!tpu.dma_semaphore, #tpu.memory_space<semaphore_mem>>) src(%dma_wait3A_110 : memref<200x128xi32, #tpu.memory_space<hbm>>) dst(%arg6 : memref<200x128xi32, #tpu.memory_space<vmem>>)
      tpu.yield
    }) : () -> ()
    "tpu.region"() ({
      %run_scoped3A = tpu.sem_alloc : memref<!tpu.dma_semaphore, #tpu.memory_space<semaphore_mem>>
      tpu.enqueue_dma source(%arg4 : memref<200x64xf32, #tpu.memory_space<hbm>>) target(%arg7 : memref<200x64xf32, #tpu.memory_space<vmem>>) target_semaphore(%run_scoped3A : memref<!tpu.dma_semaphore, #tpu.memory_space<semaphore_mem>>)
      tpu.wait_dma2 semaphore(%run_scoped3A : memref<!tpu.dma_semaphore, #tpu.memory_space<semaphore_mem>>) src(%arg4 : memref<200x64xf32, #tpu.memory_space<hbm>>) dst(%arg7 : memref<200x64xf32, #tpu.memory_space<vmem>>)
      tpu.yield
    }) : () -> ()
    %iota3A = tpu.iota {dimensions = array<i32: 0>} : vector<16xi32>
    %dma_start3A = arith.constant 0 : i32
    %dma_start3A_3 = arith.constant 0 : i32
    %dma_start3A_4 = tpu.memref_slice %arg6[%dma_start3A, %dma_start3A_3] : memref<200x128xi32, #tpu.memory_space<vmem>> -> memref<1x128xi32, #tpu.memory_space<vmem>>
    %dma_start3A_5 = tpu.memref_squeeze %dma_start3A_4 : memref<1x128xi32, #tpu.memory_space<vmem>> -> memref<128xi32, #tpu.memory_space<vmem>>
    %dma_start3A_6 = arith.constant 0 : i32
    %dma_start3A_7 = arith.constant 0 : i32
    %dma_start3A_8 = tpu.memref_slice %arg3[%dma_start3A_6, %dma_start3A_7] : memref<1000000x64xf32, #tpu.memory_space<hbm>> -> memref<1000000x64xf32, #tpu.memory_space<hbm>>
    tpu.enqueue_indirect_dma source(%dma_start3A_8 : memref<1000000x64xf32, #tpu.memory_space<hbm>>) target(%arg8 : memref<128x64xf32, #tpu.memory_space<vmem>>) offsets(%dma_start3A_5 : memref<128xi32, #tpu.memory_space<vmem>>) semaphore(%arg16 : memref<!tpu.dma_semaphore, #tpu.memory_space<semaphore_mem>>)
    %dma_start3A_9 = arith.constant 1 : i32
    %dma_start3A_10 = arith.constant 0 : i32
    %dma_start3A_11 = tpu.memref_slice %arg6[%dma_start3A_9, %dma_start3A_10] : memref<200x128xi32, #tpu.memory_space<vmem>> -> memref<1x128xi32, #tpu.memory_space<vmem>>
    %dma_start3A_12 = tpu.memref_squeeze %dma_start3A_11 : memref<1x128xi32, #tpu.memory_space<vmem>> -> memref<128xi32, #tpu.memory_space<vmem>>
    %dma_start3A_13 = arith.constant 0 : i32
    %dma_start3A_14 = arith.constant 0 : i32
    %dma_start3A_15 = tpu.memref_slice %arg3[%dma_start3A_13, %dma_start3A_14] : memref<1000000x64xf32, #tpu.memory_space<hbm>> -> memref<1000000x64xf32, #tpu.memory_space<hbm>>
    tpu.enqueue_indirect_dma source(%dma_start3A_15 : memref<1000000x64xf32, #tpu.memory_space<hbm>>) target(%arg9 : memref<128x64xf32, #tpu.memory_space<vmem>>) offsets(%dma_start3A_12 : memref<128xi32, #tpu.memory_space<vmem>>) semaphore(%arg17 : memref<!tpu.dma_semaphore, #tpu.memory_space<semaphore_mem>>)
    %dma_start3A_16 = arith.constant 2 : i32
    %dma_start3A_17 = arith.constant 0 : i32
    %dma_start3A_18 = tpu.memref_slice %arg6[%dma_start3A_16, %dma_start3A_17] : memref<200x128xi32, #tpu.memory_space<vmem>> -> memref<1x128xi32, #tpu.memory_space<vmem>>
    %dma_start3A_19 = tpu.memref_squeeze %dma_start3A_18 : memref<1x128xi32, #tpu.memory_space<vmem>> -> memref<128xi32, #tpu.memory_space<vmem>>
    %dma_start3A_20 = arith.constant 0 : i32
    %dma_start3A_21 = arith.constant 0 : i32
    %dma_start3A_22 = tpu.memref_slice %arg3[%dma_start3A_20, %dma_start3A_21] : memref<1000000x64xf32, #tpu.memory_space<hbm>> -> memref<1000000x64xf32, #tpu.memory_space<hbm>>
    tpu.enqueue_indirect_dma source(%dma_start3A_22 : memref<1000000x64xf32, #tpu.memory_space<hbm>>) target(%arg10 : memref<128x64xf32, #tpu.memory_space<vmem>>) offsets(%dma_start3A_19 : memref<128xi32, #tpu.memory_space<vmem>>) semaphore(%arg18 : memref<!tpu.dma_semaphore, #tpu.memory_space<semaphore_mem>>)
    %scan3A = arith.constant 0 : i32
    %scan3A_23 = arith.constant 0 : i32
    %scan3A_24 = arith.constant 50 : i32
    %scan3A_25 = arith.addi %scan3A_23, %scan3A_24 : i32
    %scan3A_26 = arith.constant 1 : i32
    scf.for %scan3A_103 = %scan3A_23 to %scan3A_25 step %scan3A_26  : i32 {
      %mul3A_104 = arith.constant 4 : i32
      %mul3A_105 = arith.muli %scan3A_103, %mul3A_104 : i32
      %add3A_106 = arith.constant 0 : i32
      %add3A_107 = arith.addi %mul3A_105, %add3A_106 : i32
      %add3A_108 = arith.constant 4 : i32
      %add3A_109 = arith.addi %add3A_107, %add3A_108 : i32
      %sub3A = arith.constant 1 : i32
      %sub3A_110 = arith.subi %add3A_109, %sub3A : i32
      %lt3A = arith.constant 200 : i32
      %lt3A_111 = arith.cmpi slt, %sub3A_110, %lt3A : i32
      %convert_element_type3A = arith.extui %lt3A_111 : i1 to i32
      %cond3A = arith.constant 0 : i32
      %cond3A_112 = arith.cmpi ne, %convert_element_type3A, %cond3A : i32
      scf.if %cond3A_112 {
        %dma_start3A_528 = arith.constant 0 : i32
        %dma_start3A_529 = tpu.memref_slice %arg6[%sub3A_110, %dma_start3A_528] : memref<200x128xi32, #tpu.memory_space<vmem>> -> memref<1x128xi32, #tpu.memory_space<vmem>>
        %dma_start3A_530 = tpu.memref_squeeze %dma_start3A_529 : memref<1x128xi32, #tpu.memory_space<vmem>> -> memref<128xi32, #tpu.memory_space<vmem>>
        %dma_start3A_531 = arith.constant 0 : i32
        %dma_start3A_532 = arith.constant 0 : i32
        %dma_start3A_533 = tpu.memref_slice %arg3[%dma_start3A_531, %dma_start3A_532] : memref<1000000x64xf32, #tpu.memory_space<hbm>> -> memref<1000000x64xf32, #tpu.memory_space<hbm>>
        tpu.enqueue_indirect_dma source(%dma_start3A_533 : memref<1000000x64xf32, #tpu.memory_space<hbm>>) target(%arg11 : memref<128x64xf32, #tpu.memory_space<vmem>>) offsets(%dma_start3A_530 : memref<128xi32, #tpu.memory_space<vmem>>) semaphore(%arg19 : memref<!tpu.dma_semaphore, #tpu.memory_space<semaphore_mem>>)
      } else {
      }
      %dma_wait3A_113 = arith.constant 0 : i32
      %dma_wait3A_114 = tpu.memref_slice %arg6[%add3A_107, %dma_wait3A_113] : memref<200x128xi32, #tpu.memory_space<vmem>> -> memref<1x128xi32, #tpu.memory_space<vmem>>
      %dma_wait3A_115 = tpu.memref_squeeze %dma_wait3A_114 : memref<1x128xi32, #tpu.memory_space<vmem>> -> memref<128xi32, #tpu.memory_space<vmem>>
      %dma_wait3A_116 = arith.constant 0 : i32
      %dma_wait3A_117 = arith.constant 0 : i32
      %dma_wait3A_118 = tpu.memref_slice %arg3[%dma_wait3A_116, %dma_wait3A_117] : memref<1000000x64xf32, #tpu.memory_space<hbm>> -> memref<1000000x64xf32, #tpu.memory_space<hbm>>
      tpu.wait_indirect_dma semaphore(%arg16 : memref<!tpu.dma_semaphore, #tpu.memory_space<semaphore_mem>>) src(%dma_wait3A_118 : memref<1000000x64xf32, #tpu.memory_space<hbm>>) dst(%arg8 : memref<128x64xf32, #tpu.memory_space<vmem>>)
      %ge3A = arith.constant 4 : i32
      %ge3A_119 = arith.cmpi sge, %add3A_107, %ge3A : i32
      %convert_element_type3A_120 = arith.extui %ge3A_119 : i1 to i32
      %cond3A_121 = arith.constant 0 : i32
      %cond3A_122 = arith.cmpi ne, %convert_element_type3A_120, %cond3A_121 : i32
      scf.if %cond3A_122 {
        %sub3A_528 = arith.constant 4 : i32
        %sub3A_529 = arith.subi %add3A_107, %sub3A_528 : i32
        %dma_wait3A_530 = arith.constant 0 : i32
        %dma_wait3A_531 = arith.constant 0 : i32
        %dma_wait3A_532 = arith.constant 0 : i32
        %dma_wait3A_533 = tpu.memref_slice %arg12[%dma_wait3A_530, %dma_wait3A_531, %dma_wait3A_532] : memref<8x8x129xf32, #tpu.memory_space<vmem>> -> memref<8x8x128xf32, #tpu.memory_space<vmem>>
        %dma_wait3A_534 = arith.constant 0 : i32
        %dma_wait3A_535 = arith.constant 0 : i32
        %dma_wait3A_536 = arith.constant 0 : i32
        %dma_wait3A_537 = tpu.memref_slice %arg5[%sub3A_529, %dma_wait3A_534, %add3A, %dma_wait3A_535, %dma_wait3A_536] : memref<200x8x32x8x128xf32, #tpu.memory_space<hbm>> -> memref<1x8x1x8x128xf32, #tpu.memory_space<hbm>>
        %dma_wait3A_538 = tpu.memref_squeeze %dma_wait3A_537 : memref<1x8x1x8x128xf32, #tpu.memory_space<hbm>> -> memref<8x8x128xf32, #tpu.memory_space<hbm>>
        %dma_wait3A_539 = arith.constant 0 : i32
        %dma_wait3A_540 = arith.constant 0 : i32
        %dma_wait3A_541 = arith.constant 0 : i32
        %dma_wait3A_542 = tpu.memref_slice %arg5[%sub3A_529, %dma_wait3A_539, %add3A, %dma_wait3A_540, %dma_wait3A_541] : memref<200x8x32x8x128xf32, #tpu.memory_space<hbm>> -> memref<1x8x1x8x128xf32, #tpu.memory_space<hbm>>
        %dma_wait3A_543 = tpu.memref_squeeze %dma_wait3A_542 : memref<1x8x1x8x128xf32, #tpu.memory_space<hbm>> -> memref<8x8x128xf32, #tpu.memory_space<hbm>>
        %dma_wait3A_544 = arith.constant 0 : i32
        %dma_wait3A_545 = arith.constant 0 : i32
        %dma_wait3A_546 = arith.constant 0 : i32
        %dma_wait3A_547 = tpu.memref_slice %arg12[%dma_wait3A_544, %dma_wait3A_545, %dma_wait3A_546] : memref<8x8x129xf32, #tpu.memory_space<vmem>> -> memref<8x8x128xf32, #tpu.memory_space<vmem>>
        tpu.wait_dma2 semaphore(%arg20 : memref<!tpu.dma_semaphore, #tpu.memory_space<semaphore_mem>>) src(%dma_wait3A_547 : memref<8x8x128xf32, #tpu.memory_space<vmem>>) dst(%dma_wait3A_543 : memref<8x8x128xf32, #tpu.memory_space<hbm>>)
      } else {
      }
      %get3A = arith.index_cast %add3A_107 : i32 to index
      %get3A_123 = arith.constant 0 : index
      %get3A_124 = tpu.vector_load %arg7[%get3A, %get3A_123] {strides = array<i32>} : memref<200x64xf32, #tpu.memory_space<vmem>>, vector<16xf32>,
      %get3A_125 = arith.index_cast %add3A_107 : i32 to index
      %get3A_126 = arith.constant 16 : index
      %get3A_127 = tpu.vector_load %arg7[%get3A_125, %get3A_126] {strides = array<i32>} : memref<200x64xf32, #tpu.memory_space<vmem>>, vector<16xf32>,
      %get3A_128 = arith.index_cast %add3A_107 : i32 to index
      %get3A_129 = arith.constant 32 : index
      %get3A_130 = tpu.vector_load %arg7[%get3A_128, %get3A_129] {strides = array<i32>} : memref<200x64xf32, #tpu.memory_space<vmem>>, vector<16xf32>,
      %get3A_131 = arith.index_cast %add3A_107 : i32 to index
      %get3A_132 = arith.constant 48 : index
      %get3A_133 = tpu.vector_load %arg7[%get3A_131, %get3A_132] {strides = array<i32>} : memref<200x64xf32, #tpu.memory_space<vmem>>, vector<16xf32>,
      %add3A_134 = arith.constant 0 : i32
      %add3A_135 = vector.broadcast %add3A_134 : i32 to vector<16xi32>
      %add3A_136 = arith.addi %iota3A, %add3A_135 : vector<16xi32>
      %shift_right_logical3A = arith.constant 3 : i32
      %shift_right_logical3A_137 = vector.broadcast %shift_right_logical3A : i32 to vector<16xi32>
      %shift_right_logical3A_138 = arith.shrui %add3A_136, %shift_right_logical3A_137 : vector<16xi32>
      %add3A_139 = arith.constant 16 : i32
      %add3A_140 = vector.broadcast %add3A_139 : i32 to vector<16xi32>
      %add3A_141 = arith.addi %iota3A, %add3A_140 : vector<16xi32>
      %shift_right_logical3A_142 = arith.constant 3 : i32
      %shift_right_logical3A_143 = vector.broadcast %shift_right_logical3A_142 : i32 to vector<16xi32>
      %shift_right_logical3A_144 = arith.shrui %add3A_141, %shift_right_logical3A_143 : vector<16xi32>
      %add3A_145 = arith.constant 32 : i32
      %add3A_146 = vector.broadcast %add3A_145 : i32 to vector<16xi32>
      %add3A_147 = arith.addi %iota3A, %add3A_146 : vector<16xi32>
      %shift_right_logical3A_148 = arith.constant 3 : i32
      %shift_right_logical3A_149 = vector.broadcast %shift_right_logical3A_148 : i32 to vector<16xi32>
      %shift_right_logical3A_150 = arith.shrui %add3A_147, %shift_right_logical3A_149 : vector<16xi32>
      %add3A_151 = arith.constant 48 : i32
      %add3A_152 = vector.broadcast %add3A_151 : i32 to vector<16xi32>
      %add3A_153 = arith.addi %iota3A, %add3A_152 : vector<16xi32>
      %shift_right_logical3A_154 = arith.constant 3 : i32
      %shift_right_logical3A_155 = vector.broadcast %shift_right_logical3A_154 : i32 to vector<16xi32>
      %shift_right_logical3A_156 = arith.shrui %add3A_153, %shift_right_logical3A_155 : vector<16xi32>
      %add3A_157 = arith.constant 0 : i32
      %add3A_158 = vector.broadcast %add3A_157 : i32 to vector<16xi32>
      %add3A_159 = arith.addi %iota3A, %add3A_158 : vector<16xi32>
      %and3A = arith.constant 7 : i32
      %and3A_160 = vector.broadcast %and3A : i32 to vector<16xi32>
      %and3A_161 = arith.andi %add3A_159, %and3A_160 : vector<16xi32>
      %add3A_162 = arith.constant 16 : i32
      %add3A_163 = vector.broadcast %add3A_162 : i32 to vector<16xi32>
      %add3A_164 = arith.addi %iota3A, %add3A_163 : vector<16xi32>
      %and3A_165 = arith.constant 7 : i32
      %and3A_166 = vector.broadcast %and3A_165 : i32 to vector<16xi32>
      %and3A_167 = arith.andi %add3A_164, %and3A_166 : vector<16xi32>
      %add3A_168 = arith.constant 32 : i32
      %add3A_169 = vector.broadcast %add3A_168 : i32 to vector<16xi32>
      %add3A_170 = arith.addi %iota3A, %add3A_169 : vector<16xi32>
      %and3A_171 = arith.constant 7 : i32
      %and3A_172 = vector.broadcast %and3A_171 : i32 to vector<16xi32>
      %and3A_173 = arith.andi %add3A_170, %and3A_172 : vector<16xi32>
      %add3A_174 = arith.constant 48 : i32
      %add3A_175 = vector.broadcast %add3A_174 : i32 to vector<16xi32>
      %add3A_176 = arith.addi %iota3A, %add3A_175 : vector<16xi32>
      %and3A_177 = arith.constant 7 : i32
      %and3A_178 = vector.broadcast %and3A_177 : i32 to vector<16xi32>
      %and3A_179 = arith.andi %add3A_176, %and3A_178 : vector<16xi32>
      %scan3A_180 = arith.constant 0 : i32
      %scan3A_181 = arith.constant 0 : i32
      %scan3A_182 = arith.constant 64 : i32
      %scan3A_183 = arith.addi %scan3A_181, %scan3A_182 : i32
      %scan3A_184 = arith.constant 1 : i32
      scf.for %scan3A_528 = %scan3A_181 to %scan3A_183 step %scan3A_184  : i32 {
        %mul3A_529 = arith.constant 2 : i32
        %mul3A_530 = arith.muli %scan3A_528, %mul3A_529 : i32
        %add3A_531 = arith.constant 0 : i32
        %add3A_532 = arith.addi %mul3A_530, %add3A_531 : i32
        %broadcast_in_dim3A = vector.broadcast %add3A_532 : i32 to vector<16xi32>
        %add3A_533 = arith.constant 0 : i32
        %add3A_534 = arith.addi %mul3A_530, %add3A_533 : i32
        %get3A_535 = arith.index_cast %add3A_534 : i32 to index
        %get3A_536 = arith.constant 0 : index
        %get3A_537 = tpu.vector_load %arg8[%get3A_535, %get3A_536] {strides = array<i32>} : memref<128x64xf32, #tpu.memory_space<vmem>>, vector<16xf32>,
        %add3A_538 = arith.addf %get3A_537, %get3A_124 : vector<16xf32>
        tpu.vector_store_idx %arg12[%shift_right_logical3A_138, %and3A_161, %broadcast_in_dim3A], %add3A_538 : memref<8x8x129xf32, #tpu.memory_space<vmem>>[vector<16xi32>, vector<16xi32>, vector<16xi32>], vector<16xf32>,
        %add3A_539 = arith.constant 0 : i32
        %add3A_540 = arith.addi %mul3A_530, %add3A_539 : i32
        %get3A_541 = arith.index_cast %add3A_540 : i32 to index
        %get3A_542 = arith.constant 16 : index
        %get3A_543 = tpu.vector_load %arg8[%get3A_541, %get3A_542] {strides = array<i32>} : memref<128x64xf32, #tpu.memory_space<vmem>>, vector<16xf32>,
        %add3A_544 = arith.addf %get3A_543, %get3A_127 : vector<16xf32>
        tpu.vector_store_idx %arg12[%shift_right_logical3A_144, %and3A_167, %broadcast_in_dim3A], %add3A_544 : memref<8x8x129xf32, #tpu.memory_space<vmem>>[vector<16xi32>, vector<16xi32>, vector<16xi32>], vector<16xf32>,
        %add3A_545 = arith.constant 0 : i32
        %add3A_546 = arith.addi %mul3A_530, %add3A_545 : i32
        %get3A_547 = arith.index_cast %add3A_546 : i32 to index
        %get3A_548 = arith.constant 32 : index
        %get3A_549 = tpu.vector_load %arg8[%get3A_547, %get3A_548] {strides = array<i32>} : memref<128x64xf32, #tpu.memory_space<vmem>>, vector<16xf32>,
        %add3A_550 = arith.addf %get3A_549, %get3A_130 : vector<16xf32>
        tpu.vector_store_idx %arg12[%shift_right_logical3A_150, %and3A_173, %broadcast_in_dim3A], %add3A_550 : memref<8x8x129xf32, #tpu.memory_space<vmem>>[vector<16xi32>, vector<16xi32>, vector<16xi32>], vector<16xf32>,
        %add3A_551 = arith.constant 0 : i32
        %add3A_552 = arith.addi %mul3A_530, %add3A_551 : i32
        %get3A_553 = arith.index_cast %add3A_552 : i32 to index
        %get3A_554 = arith.constant 48 : index
        %get3A_555 = tpu.vector_load %arg8[%get3A_553, %get3A_554] {strides = array<i32>} : memref<128x64xf32, #tpu.memory_space<vmem>>, vector<16xf32>,
        %add3A_556 = arith.addf %get3A_555, %get3A_133 : vector<16xf32>
        tpu.vector_store_idx %arg12[%shift_right_logical3A_156, %and3A_179, %broadcast_in_dim3A], %add3A_556 : memref<8x8x129xf32, #tpu.memory_space<vmem>>[vector<16xi32>, vector<16xi32>, vector<16xi32>], vector<16xf32>,
        %add3A_557 = arith.constant 1 : i32
        %add3A_558 = arith.addi %mul3A_530, %add3A_557 : i32
        %broadcast_in_dim3A_559 = vector.broadcast %add3A_558 : i32 to vector<16xi32>
        %add3A_560 = arith.constant 1 : i32
        %add3A_561 = arith.addi %mul3A_530, %add3A_560 : i32
        %get3A_562 = arith.index_cast %add3A_561 : i32 to index
        %get3A_563 = arith.constant 0 : index
        %get3A_564 = tpu.vector_load %arg8[%get3A_562, %get3A_563] {strides = array<i32>} : memref<128x64xf32, #tpu.memory_space<vmem>>, vector<16xf32>,
        %add3A_565 = arith.addf %get3A_564, %get3A_124 : vector<16xf32>
        tpu.vector_store_idx %arg12[%shift_right_logical3A_138, %and3A_161, %broadcast_in_dim3A_559], %add3A_565 : memref<8x8x129xf32, #tpu.memory_space<vmem>>[vector<16xi32>, vector<16xi32>, vector<16xi32>], vector<16xf32>,
        %add3A_566 = arith.constant 1 : i32
        %add3A_567 = arith.addi %mul3A_530, %add3A_566 : i32
        %get3A_568 = arith.index_cast %add3A_567 : i32 to index
        %get3A_569 = arith.constant 16 : index
        %get3A_570 = tpu.vector_load %arg8[%get3A_568, %get3A_569] {strides = array<i32>} : memref<128x64xf32, #tpu.memory_space<vmem>>, vector<16xf32>,
        %add3A_571 = arith.addf %get3A_570, %get3A_127 : vector<16xf32>
        tpu.vector_store_idx %arg12[%shift_right_logical3A_144, %and3A_167, %broadcast_in_dim3A_559], %add3A_571 : memref<8x8x129xf32, #tpu.memory_space<vmem>>[vector<16xi32>, vector<16xi32>, vector<16xi32>], vector<16xf32>,
        %add3A_572 = arith.constant 1 : i32
        %add3A_573 = arith.addi %mul3A_530, %add3A_572 : i32
        %get3A_574 = arith.index_cast %add3A_573 : i32 to index
        %get3A_575 = arith.constant 32 : index
        %get3A_576 = tpu.vector_load %arg8[%get3A_574, %get3A_575] {strides = array<i32>} : memref<128x64xf32, #tpu.memory_space<vmem>>, vector<16xf32>,
        %add3A_577 = arith.addf %get3A_576, %get3A_130 : vector<16xf32>
        tpu.vector_store_idx %arg12[%shift_right_logical3A_150, %and3A_173, %broadcast_in_dim3A_559], %add3A_577 : memref<8x8x129xf32, #tpu.memory_space<vmem>>[vector<16xi32>, vector<16xi32>, vector<16xi32>], vector<16xf32>,
        %add3A_578 = arith.constant 1 : i32
        %add3A_579 = arith.addi %mul3A_530, %add3A_578 : i32
        %get3A_580 = arith.index_cast %add3A_579 : i32 to index
        %get3A_581 = arith.constant 48 : index
        %get3A_582 = tpu.vector_load %arg8[%get3A_580, %get3A_581] {strides = array<i32>} : memref<128x64xf32, #tpu.memory_space<vmem>>, vector<16xf32>,
        %add3A_583 = arith.addf %get3A_582, %get3A_133 : vector<16xf32>
        tpu.vector_store_idx %arg12[%shift_right_logical3A_156, %and3A_179, %broadcast_in_dim3A_559], %add3A_583 : memref<8x8x129xf32, #tpu.memory_space<vmem>>[vector<16xi32>, vector<16xi32>, vector<16xi32>], vector<16xf32>,
      }
      %scan3A_185 = arith.constant 64 : i32
      %dma_start3A_186 = arith.constant 0 : i32
      %dma_start3A_187 = arith.constant 0 : i32
      %dma_start3A_188 = arith.constant 0 : i32
      %dma_start3A_189 = tpu.memref_slice %arg12[%dma_start3A_186, %dma_start3A_187, %dma_start3A_188] : memref<8x8x129xf32, #tpu.memory_space<vmem>> -> memref<8x8x128xf32, #tpu.memory_space<vmem>>
      %dma_start3A_190 = arith.constant 0 : i32
      %dma_start3A_191 = arith.constant 0 : i32
      %dma_start3A_192 = arith.constant 0 : i32
      %dma_start3A_193 = tpu.memref_slice %arg5[%add3A_107, %dma_start3A_190, %add3A, %dma_start3A_191, %dma_start3A_192] : memref<200x8x32x8x128xf32, #tpu.memory_space<hbm>> -> memref<1x8x1x8x128xf32, #tpu.memory_space<hbm>>
      %dma_start3A_194 = tpu.memref_squeeze %dma_start3A_193 : memref<1x8x1x8x128xf32, #tpu.memory_space<hbm>> -> memref<8x8x128xf32, #tpu.memory_space<hbm>>
      %dma_start3A_195 = arith.constant 0 : i32
      %dma_start3A_196 = arith.constant 0 : i32
      %dma_start3A_197 = arith.constant 0 : i32
      %dma_start3A_198 = tpu.memref_slice %arg5[%add3A_107, %dma_start3A_195, %add3A, %dma_start3A_196, %dma_start3A_197] : memref<200x8x32x8x128xf32, #tpu.memory_space<hbm>> -> memref<1x8x1x8x128xf32, #tpu.memory_space<hbm>>
      %dma_start3A_199 = tpu.memref_squeeze %dma_start3A_198 : memref<1x8x1x8x128xf32, #tpu.memory_space<hbm>> -> memref<8x8x128xf32, #tpu.memory_space<hbm>>
      %dma_start3A_200 = arith.constant 0 : i32
      %dma_start3A_201 = arith.constant 0 : i32
      %dma_start3A_202 = arith.constant 0 : i32
      %dma_start3A_203 = tpu.memref_slice %arg12[%dma_start3A_200, %dma_start3A_201, %dma_start3A_202] : memref<8x8x129xf32, #tpu.memory_space<vmem>> -> memref<8x8x128xf32, #tpu.memory_space<vmem>>
      tpu.enqueue_dma source(%dma_start3A_203 : memref<8x8x128xf32, #tpu.memory_space<vmem>>) target(%dma_start3A_199 : memref<8x8x128xf32, #tpu.memory_space<hbm>>) target_semaphore(%arg20 : memref<!tpu.dma_semaphore, #tpu.memory_space<semaphore_mem>>)
      %mul3A_204 = arith.constant 4 : i32
      %mul3A_205 = arith.muli %scan3A_103, %mul3A_204 : i32
      %add3A_206 = arith.constant 1 : i32
      %add3A_207 = arith.addi %mul3A_205, %add3A_206 : i32
      %add3A_208 = arith.constant 4 : i32
      %add3A_209 = arith.addi %add3A_207, %add3A_208 : i32
      %sub3A_210 = arith.constant 1 : i32
      %sub3A_211 = arith.subi %add3A_209, %sub3A_210 : i32
      %lt3A_212 = arith.constant 200 : i32
      %lt3A_213 = arith.cmpi slt, %sub3A_211, %lt3A_212 : i32
      %convert_element_type3A_214 = arith.extui %lt3A_213 : i1 to i32
      %cond3A_215 = arith.constant 0 : i32
      %cond3A_216 = arith.cmpi ne, %convert_element_type3A_214, %cond3A_215 : i32
      scf.if %cond3A_216 {
        %dma_start3A_528 = arith.constant 0 : i32
        %dma_start3A_529 = tpu.memref_slice %arg6[%sub3A_211, %dma_start3A_528] : memref<200x128xi32, #tpu.memory_space<vmem>> -> memref<1x128xi32, #tpu.memory_space<vmem>>
        %dma_start3A_530 = tpu.memref_squeeze %dma_start3A_529 : memref<1x128xi32, #tpu.memory_space<vmem>> -> memref<128xi32, #tpu.memory_space<vmem>>
        %dma_start3A_531 = arith.constant 0 : i32
        %dma_start3A_532 = arith.constant 0 : i32
        %dma_start3A_533 = tpu.memref_slice %arg3[%dma_start3A_531, %dma_start3A_532] : memref<1000000x64xf32, #tpu.memory_space<hbm>> -> memref<1000000x64xf32, #tpu.memory_space<hbm>>
        tpu.enqueue_indirect_dma source(%dma_start3A_533 : memref<1000000x64xf32, #tpu.memory_space<hbm>>) target(%arg8 : memref<128x64xf32, #tpu.memory_space<vmem>>) offsets(%dma_start3A_530 : memref<128xi32, #tpu.memory_space<vmem>>) semaphore(%arg16 : memref<!tpu.dma_semaphore, #tpu.memory_space<semaphore_mem>>)
      } else {
      }
      %dma_wait3A_217 = arith.constant 0 : i32
      %dma_wait3A_218 = tpu.memref_slice %arg6[%add3A_207, %dma_wait3A_217] : memref<200x128xi32, #tpu.memory_space<vmem>> -> memref<1x128xi32, #tpu.memory_space<vmem>>
      %dma_wait3A_219 = tpu.memref_squeeze %dma_wait3A_218 : memref<1x128xi32, #tpu.memory_space<vmem>> -> memref<128xi32, #tpu.memory_space<vmem>>
      %dma_wait3A_220 = arith.constant 0 : i32
      %dma_wait3A_221 = arith.constant 0 : i32
      %dma_wait3A_222 = tpu.memref_slice %arg3[%dma_wait3A_220, %dma_wait3A_221] : memref<1000000x64xf32, #tpu.memory_space<hbm>> -> memref<1000000x64xf32, #tpu.memory_space<hbm>>
      tpu.wait_indirect_dma semaphore(%arg17 : memref<!tpu.dma_semaphore, #tpu.memory_space<semaphore_mem>>) src(%dma_wait3A_222 : memref<1000000x64xf32, #tpu.memory_space<hbm>>) dst(%arg9 : memref<128x64xf32, #tpu.memory_space<vmem>>)
      %ge3A_223 = arith.constant 4 : i32
      %ge3A_224 = arith.cmpi sge, %add3A_207, %ge3A_223 : i32
      %convert_element_type3A_225 = arith.extui %ge3A_224 : i1 to i32
      %cond3A_226 = arith.constant 0 : i32
      %cond3A_227 = arith.cmpi ne, %convert_element_type3A_225, %cond3A_226 : i32
      scf.if %cond3A_227 {
        %sub3A_528 = arith.constant 4 : i32
        %sub3A_529 = arith.subi %add3A_207, %sub3A_528 : i32
        %dma_wait3A_530 = arith.constant 0 : i32
        %dma_wait3A_531 = arith.constant 0 : i32
        %dma_wait3A_532 = arith.constant 0 : i32
        %dma_wait3A_533 = tpu.memref_slice %arg13[%dma_wait3A_530, %dma_wait3A_531, %dma_wait3A_532] : memref<8x8x129xf32, #tpu.memory_space<vmem>> -> memref<8x8x128xf32, #tpu.memory_space<vmem>>
        %dma_wait3A_534 = arith.constant 0 : i32
        %dma_wait3A_535 = arith.constant 0 : i32
        %dma_wait3A_536 = arith.constant 0 : i32
        %dma_wait3A_537 = tpu.memref_slice %arg5[%sub3A_529, %dma_wait3A_534, %add3A, %dma_wait3A_535, %dma_wait3A_536] : memref<200x8x32x8x128xf32, #tpu.memory_space<hbm>> -> memref<1x8x1x8x128xf32, #tpu.memory_space<hbm>>
        %dma_wait3A_538 = tpu.memref_squeeze %dma_wait3A_537 : memref<1x8x1x8x128xf32, #tpu.memory_space<hbm>> -> memref<8x8x128xf32, #tpu.memory_space<hbm>>
        %dma_wait3A_539 = arith.constant 0 : i32
        %dma_wait3A_540 = arith.constant 0 : i32
        %dma_wait3A_541 = arith.constant 0 : i32
        %dma_wait3A_542 = tpu.memref_slice %arg5[%sub3A_529, %dma_wait3A_539, %add3A, %dma_wait3A_540, %dma_wait3A_541] : memref<200x8x32x8x128xf32, #tpu.memory_space<hbm>> -> memref<1x8x1x8x128xf32, #tpu.memory_space<hbm>>
        %dma_wait3A_543 = tpu.memref_squeeze %dma_wait3A_542 : memref<1x8x1x8x128xf32, #tpu.memory_space<hbm>> -> memref<8x8x128xf32, #tpu.memory_space<hbm>>
        %dma_wait3A_544 = arith.constant 0 : i32
        %dma_wait3A_545 = arith.constant 0 : i32
        %dma_wait3A_546 = arith.constant 0 : i32
        %dma_wait3A_547 = tpu.memref_slice %arg13[%dma_wait3A_544, %dma_wait3A_545, %dma_wait3A_546] : memref<8x8x129xf32, #tpu.memory_space<vmem>> -> memref<8x8x128xf32, #tpu.memory_space<vmem>>
        tpu.wait_dma2 semaphore(%arg21 : memref<!tpu.dma_semaphore, #tpu.memory_space<semaphore_mem>>) src(%dma_wait3A_547 : memref<8x8x128xf32, #tpu.memory_space<vmem>>) dst(%dma_wait3A_543 : memref<8x8x128xf32, #tpu.memory_space<hbm>>)
      } else {
      }
      %get3A_228 = arith.index_cast %add3A_207 : i32 to index
      %get3A_229 = arith.constant 0 : index
      %get3A_230 = tpu.vector_load %arg7[%get3A_228, %get3A_229] {strides = array<i32>} : memref<200x64xf32, #tpu.memory_space<vmem>>, vector<16xf32>,
      %get3A_231 = arith.index_cast %add3A_207 : i32 to index
      %get3A_232 = arith.constant 16 : index
      %get3A_233 = tpu.vector_load %arg7[%get3A_231, %get3A_232] {strides = array<i32>} : memref<200x64xf32, #tpu.memory_space<vmem>>, vector<16xf32>,
      %get3A_234 = arith.index_cast %add3A_207 : i32 to index
      %get3A_235 = arith.constant 32 : index
      %get3A_236 = tpu.vector_load %arg7[%get3A_234, %get3A_235] {strides = array<i32>} : memref<200x64xf32, #tpu.memory_space<vmem>>, vector<16xf32>,
      %get3A_237 = arith.index_cast %add3A_207 : i32 to index
      %get3A_238 = arith.constant 48 : index
      %get3A_239 = tpu.vector_load %arg7[%get3A_237, %get3A_238] {strides = array<i32>} : memref<200x64xf32, #tpu.memory_space<vmem>>, vector<16xf32>,
      %add3A_240 = arith.constant 0 : i32
      %add3A_241 = vector.broadcast %add3A_240 : i32 to vector<16xi32>
      %add3A_242 = arith.addi %iota3A, %add3A_241 : vector<16xi32>
      %shift_right_logical3A_243 = arith.constant 3 : i32
      %shift_right_logical3A_244 = vector.broadcast %shift_right_logical3A_243 : i32 to vector<16xi32>
      %shift_right_logical3A_245 = arith.shrui %add3A_242, %shift_right_logical3A_244 : vector<16xi32>
      %add3A_246 = arith.constant 16 : i32
      %add3A_247 = vector.broadcast %add3A_246 : i32 to vector<16xi32>
      %add3A_248 = arith.addi %iota3A, %add3A_247 : vector<16xi32>
      %shift_right_logical3A_249 = arith.constant 3 : i32
      %shift_right_logical3A_250 = vector.broadcast %shift_right_logical3A_249 : i32 to vector<16xi32>
      %shift_right_logical3A_251 = arith.shrui %add3A_248, %shift_right_logical3A_250 : vector<16xi32>
      %add3A_252 = arith.constant 32 : i32
      %add3A_253 = vector.broadcast %add3A_252 : i32 to vector<16xi32>
      %add3A_254 = arith.addi %iota3A, %add3A_253 : vector<16xi32>
      %shift_right_logical3A_255 = arith.constant 3 : i32
      %shift_right_logical3A_256 = vector.broadcast %shift_right_logical3A_255 : i32 to vector<16xi32>
      %shift_right_logical3A_257 = arith.shrui %add3A_254, %shift_right_logical3A_256 : vector<16xi32>
      %add3A_258 = arith.constant 48 : i32
      %add3A_259 = vector.broadcast %add3A_258 : i32 to vector<16xi32>
      %add3A_260 = arith.addi %iota3A, %add3A_259 : vector<16xi32>
      %shift_right_logical3A_261 = arith.constant 3 : i32
      %shift_right_logical3A_262 = vector.broadcast %shift_right_logical3A_261 : i32 to vector<16xi32>
      %shift_right_logical3A_263 = arith.shrui %add3A_260, %shift_right_logical3A_262 : vector<16xi32>
      %add3A_264 = arith.constant 0 : i32
      %add3A_265 = vector.broadcast %add3A_264 : i32 to vector<16xi32>
      %add3A_266 = arith.addi %iota3A, %add3A_265 : vector<16xi32>
      %and3A_267 = arith.constant 7 : i32
      %and3A_268 = vector.broadcast %and3A_267 : i32 to vector<16xi32>
      %and3A_269 = arith.andi %add3A_266, %and3A_268 : vector<16xi32>
      %add3A_270 = arith.constant 16 : i32
      %add3A_271 = vector.broadcast %add3A_270 : i32 to vector<16xi32>
      %add3A_272 = arith.addi %iota3A, %add3A_271 : vector<16xi32>
      %and3A_273 = arith.constant 7 : i32
      %and3A_274 = vector.broadcast %and3A_273 : i32 to vector<16xi32>
      %and3A_275 = arith.andi %add3A_272, %and3A_274 : vector<16xi32>
      %add3A_276 = arith.constant 32 : i32
      %add3A_277 = vector.broadcast %add3A_276 : i32 to vector<16xi32>
      %add3A_278 = arith.addi %iota3A, %add3A_277 : vector<16xi32>
      %and3A_279 = arith.constant 7 : i32
      %and3A_280 = vector.broadcast %and3A_279 : i32 to vector<16xi32>
      %and3A_281 = arith.andi %add3A_278, %and3A_280 : vector<16xi32>
      %add3A_282 = arith.constant 48 : i32
      %add3A_283 = vector.broadcast %add3A_282 : i32 to vector<16xi32>
      %add3A_284 = arith.addi %iota3A, %add3A_283 : vector<16xi32>
      %and3A_285 = arith.constant 7 : i32
      %and3A_286 = vector.broadcast %and3A_285 : i32 to vector<16xi32>
      %and3A_287 = arith.andi %add3A_284, %and3A_286 : vector<16xi32>
      %scan3A_288 = arith.constant 0 : i32
      %scan3A_289 = arith.constant 0 : i32
      %scan3A_290 = arith.constant 64 : i32
      %scan3A_291 = arith.addi %scan3A_289, %scan3A_290 : i32
      %scan3A_292 = arith.constant 1 : i32
      scf.for %scan3A_528 = %scan3A_289 to %scan3A_291 step %scan3A_292  : i32 {
        %mul3A_529 = arith.constant 2 : i32
        %mul3A_530 = arith.muli %scan3A_528, %mul3A_529 : i32
        %add3A_531 = arith.constant 0 : i32
        %add3A_532 = arith.addi %mul3A_530, %add3A_531 : i32
        %broadcast_in_dim3A = vector.broadcast %add3A_532 : i32 to vector<16xi32>
        %add3A_533 = arith.constant 0 : i32
        %add3A_534 = arith.addi %mul3A_530, %add3A_533 : i32
        %get3A_535 = arith.index_cast %add3A_534 : i32 to index
        %get3A_536 = arith.constant 0 : index
        %get3A_537 = tpu.vector_load %arg9[%get3A_535, %get3A_536] {strides = array<i32>} : memref<128x64xf32, #tpu.memory_space<vmem>>, vector<16xf32>,
        %add3A_538 = arith.addf %get3A_537, %get3A_230 : vector<16xf32>
        tpu.vector_store_idx %arg13[%shift_right_logical3A_245, %and3A_269, %broadcast_in_dim3A], %add3A_538 : memref<8x8x129xf32, #tpu.memory_space<vmem>>[vector<16xi32>, vector<16xi32>, vector<16xi32>], vector<16xf32>,
        %add3A_539 = arith.constant 0 : i32
        %add3A_540 = arith.addi %mul3A_530, %add3A_539 : i32
        %get3A_541 = arith.index_cast %add3A_540 : i32 to index
        %get3A_542 = arith.constant 16 : index
        %get3A_543 = tpu.vector_load %arg9[%get3A_541, %get3A_542] {strides = array<i32>} : memref<128x64xf32, #tpu.memory_space<vmem>>, vector<16xf32>,
        %add3A_544 = arith.addf %get3A_543, %get3A_233 : vector<16xf32>
        tpu.vector_store_idx %arg13[%shift_right_logical3A_251, %and3A_275, %broadcast_in_dim3A], %add3A_544 : memref<8x8x129xf32, #tpu.memory_space<vmem>>[vector<16xi32>, vector<16xi32>, vector<16xi32>], vector<16xf32>,
        %add3A_545 = arith.constant 0 : i32
        %add3A_546 = arith.addi %mul3A_530, %add3A_545 : i32
        %get3A_547 = arith.index_cast %add3A_546 : i32 to index
        %get3A_548 = arith.constant 32 : index
        %get3A_549 = tpu.vector_load %arg9[%get3A_547, %get3A_548] {strides = array<i32>} : memref<128x64xf32, #tpu.memory_space<vmem>>, vector<16xf32>,
        %add3A_550 = arith.addf %get3A_549, %get3A_236 : vector<16xf32>
        tpu.vector_store_idx %arg13[%shift_right_logical3A_257, %and3A_281, %broadcast_in_dim3A], %add3A_550 : memref<8x8x129xf32, #tpu.memory_space<vmem>>[vector<16xi32>, vector<16xi32>, vector<16xi32>], vector<16xf32>,
        %add3A_551 = arith.constant 0 : i32
        %add3A_552 = arith.addi %mul3A_530, %add3A_551 : i32
        %get3A_553 = arith.index_cast %add3A_552 : i32 to index
        %get3A_554 = arith.constant 48 : index
        %get3A_555 = tpu.vector_load %arg9[%get3A_553, %get3A_554] {strides = array<i32>} : memref<128x64xf32, #tpu.memory_space<vmem>>, vector<16xf32>,
        %add3A_556 = arith.addf %get3A_555, %get3A_239 : vector<16xf32>
        tpu.vector_store_idx %arg13[%shift_right_logical3A_263, %and3A_287, %broadcast_in_dim3A], %add3A_556 : memref<8x8x129xf32, #tpu.memory_space<vmem>>[vector<16xi32>, vector<16xi32>, vector<16xi32>], vector<16xf32>,
        %add3A_557 = arith.constant 1 : i32
        %add3A_558 = arith.addi %mul3A_530, %add3A_557 : i32
        %broadcast_in_dim3A_559 = vector.broadcast %add3A_558 : i32 to vector<16xi32>
        %add3A_560 = arith.constant 1 : i32
        %add3A_561 = arith.addi %mul3A_530, %add3A_560 : i32
        %get3A_562 = arith.index_cast %add3A_561 : i32 to index
        %get3A_563 = arith.constant 0 : index
        %get3A_564 = tpu.vector_load %arg9[%get3A_562, %get3A_563] {strides = array<i32>} : memref<128x64xf32, #tpu.memory_space<vmem>>, vector<16xf32>,
        %add3A_565 = arith.addf %get3A_564, %get3A_230 : vector<16xf32>
        tpu.vector_store_idx %arg13[%shift_right_logical3A_245, %and3A_269, %broadcast_in_dim3A_559], %add3A_565 : memref<8x8x129xf32, #tpu.memory_space<vmem>>[vector<16xi32>, vector<16xi32>, vector<16xi32>], vector<16xf32>,
        %add3A_566 = arith.constant 1 : i32
        %add3A_567 = arith.addi %mul3A_530, %add3A_566 : i32
        %get3A_568 = arith.index_cast %add3A_567 : i32 to index
        %get3A_569 = arith.constant 16 : index
        %get3A_570 = tpu.vector_load %arg9[%get3A_568, %get3A_569] {strides = array<i32>} : memref<128x64xf32, #tpu.memory_space<vmem>>, vector<16xf32>,
        %add3A_571 = arith.addf %get3A_570, %get3A_233 : vector<16xf32>
        tpu.vector_store_idx %arg13[%shift_right_logical3A_251, %and3A_275, %broadcast_in_dim3A_559], %add3A_571 : memref<8x8x129xf32, #tpu.memory_space<vmem>>[vector<16xi32>, vector<16xi32>, vector<16xi32>], vector<16xf32>,
        %add3A_572 = arith.constant 1 : i32
        %add3A_573 = arith.addi %mul3A_530, %add3A_572 : i32
        %get3A_574 = arith.index_cast %add3A_573 : i32 to index
        %get3A_575 = arith.constant 32 : index
        %get3A_576 = tpu.vector_load %arg9[%get3A_574, %get3A_575] {strides = array<i32>} : memref<128x64xf32, #tpu.memory_space<vmem>>, vector<16xf32>,
        %add3A_577 = arith.addf %get3A_576, %get3A_236 : vector<16xf32>
        tpu.vector_store_idx %arg13[%shift_right_logical3A_257, %and3A_281, %broadcast_in_dim3A_559], %add3A_577 : memref<8x8x129xf32, #tpu.memory_space<vmem>>[vector<16xi32>, vector<16xi32>, vector<16xi32>], vector<16xf32>,
        %add3A_578 = arith.constant 1 : i32
        %add3A_579 = arith.addi %mul3A_530, %add3A_578 : i32
        %get3A_580 = arith.index_cast %add3A_579 : i32 to index
        %get3A_581 = arith.constant 48 : index
        %get3A_582 = tpu.vector_load %arg9[%get3A_580, %get3A_581] {strides = array<i32>} : memref<128x64xf32, #tpu.memory_space<vmem>>, vector<16xf32>,
        %add3A_583 = arith.addf %get3A_582, %get3A_239 : vector<16xf32>
        tpu.vector_store_idx %arg13[%shift_right_logical3A_263, %and3A_287, %broadcast_in_dim3A_559], %add3A_583 : memref<8x8x129xf32, #tpu.memory_space<vmem>>[vector<16xi32>, vector<16xi32>, vector<16xi32>], vector<16xf32>,
      }
      %scan3A_293 = arith.constant 64 : i32
      %dma_start3A_294 = arith.constant 0 : i32
      %dma_start3A_295 = arith.constant 0 : i32
      %dma_start3A_296 = arith.constant 0 : i32
      %dma_start3A_297 = tpu.memref_slice %arg13[%dma_start3A_294, %dma_start3A_295, %dma_start3A_296] : memref<8x8x129xf32, #tpu.memory_space<vmem>> -> memref<8x8x128xf32, #tpu.memory_space<vmem>>
      %dma_start3A_298 = arith.constant 0 : i32
      %dma_start3A_299 = arith.constant 0 : i32
      %dma_start3A_300 = arith.constant 0 : i32
      %dma_start3A_301 = tpu.memref_slice %arg5[%add3A_207, %dma_start3A_298, %add3A, %dma_start3A_299, %dma_start3A_300] : memref<200x8x32x8x128xf32, #tpu.memory_space<hbm>> -> memref<1x8x1x8x128xf32, #tpu.memory_space<hbm>>
      %dma_start3A_302 = tpu.memref_squeeze %dma_start3A_301 : memref<1x8x1x8x128xf32, #tpu.memory_space<hbm>> -> memref<8x8x128xf32, #tpu.memory_space<hbm>>
      %dma_start3A_303 = arith.constant 0 : i32
      %dma_start3A_304 = arith.constant 0 : i32
      %dma_start3A_305 = arith.constant 0 : i32
      %dma_start3A_306 = tpu.memref_slice %arg5[%add3A_207, %dma_start3A_303, %add3A, %dma_start3A_304, %dma_start3A_305] : memref<200x8x32x8x128xf32, #tpu.memory_space<hbm>> -> memref<1x8x1x8x128xf32, #tpu.memory_space<hbm>>
      %dma_start3A_307 = tpu.memref_squeeze %dma_start3A_306 : memref<1x8x1x8x128xf32, #tpu.memory_space<hbm>> -> memref<8x8x128xf32, #tpu.memory_space<hbm>>
      %dma_start3A_308 = arith.constant 0 : i32
      %dma_start3A_309 = arith.constant 0 : i32
      %dma_start3A_310 = arith.constant 0 : i32
      %dma_start3A_311 = tpu.memref_slice %arg13[%dma_start3A_308, %dma_start3A_309, %dma_start3A_310] : memref<8x8x129xf32, #tpu.memory_space<vmem>> -> memref<8x8x128xf32, #tpu.memory_space<vmem>>
      tpu.enqueue_dma source(%dma_start3A_311 : memref<8x8x128xf32, #tpu.memory_space<vmem>>) target(%dma_start3A_307 : memref<8x8x128xf32, #tpu.memory_space<hbm>>) target_semaphore(%arg21 : memref<!tpu.dma_semaphore, #tpu.memory_space<semaphore_mem>>)
      %mul3A_312 = arith.constant 4 : i32
      %mul3A_313 = arith.muli %scan3A_103, %mul3A_312 : i32
      %add3A_314 = arith.constant 2 : i32
      %add3A_315 = arith.addi %mul3A_313, %add3A_314 : i32
      %add3A_316 = arith.constant 4 : i32
      %add3A_317 = arith.addi %add3A_315, %add3A_316 : i32
      %sub3A_318 = arith.constant 1 : i32
      %sub3A_319 = arith.subi %add3A_317, %sub3A_318 : i32
      %lt3A_320 = arith.constant 200 : i32
      %lt3A_321 = arith.cmpi slt, %sub3A_319, %lt3A_320 : i32
      %convert_element_type3A_322 = arith.extui %lt3A_321 : i1 to i32
      %cond3A_323 = arith.constant 0 : i32
      %cond3A_324 = arith.cmpi ne, %convert_element_type3A_322, %cond3A_323 : i32
      scf.if %cond3A_324 {
        %dma_start3A_528 = arith.constant 0 : i32
        %dma_start3A_529 = tpu.memref_slice %arg6[%sub3A_319, %dma_start3A_528] : memref<200x128xi32, #tpu.memory_space<vmem>> -> memref<1x128xi32, #tpu.memory_space<vmem>>
        %dma_start3A_530 = tpu.memref_squeeze %dma_start3A_529 : memref<1x128xi32, #tpu.memory_space<vmem>> -> memref<128xi32, #tpu.memory_space<vmem>>
        %dma_start3A_531 = arith.constant 0 : i32
        %dma_start3A_532 = arith.constant 0 : i32
        %dma_start3A_533 = tpu.memref_slice %arg3[%dma_start3A_531, %dma_start3A_532] : memref<1000000x64xf32, #tpu.memory_space<hbm>> -> memref<1000000x64xf32, #tpu.memory_space<hbm>>
        tpu.enqueue_indirect_dma source(%dma_start3A_533 : memref<1000000x64xf32, #tpu.memory_space<hbm>>) target(%arg9 : memref<128x64xf32, #tpu.memory_space<vmem>>) offsets(%dma_start3A_530 : memref<128xi32, #tpu.memory_space<vmem>>) semaphore(%arg17 : memref<!tpu.dma_semaphore, #tpu.memory_space<semaphore_mem>>)
      } else {
      }
      %dma_wait3A_325 = arith.constant 0 : i32
      %dma_wait3A_326 = tpu.memref_slice %arg6[%add3A_315, %dma_wait3A_325] : memref<200x128xi32, #tpu.memory_space<vmem>> -> memref<1x128xi32, #tpu.memory_space<vmem>>
      %dma_wait3A_327 = tpu.memref_squeeze %dma_wait3A_326 : memref<1x128xi32, #tpu.memory_space<vmem>> -> memref<128xi32, #tpu.memory_space<vmem>>
      %dma_wait3A_328 = arith.constant 0 : i32
      %dma_wait3A_329 = arith.constant 0 : i32
      %dma_wait3A_330 = tpu.memref_slice %arg3[%dma_wait3A_328, %dma_wait3A_329] : memref<1000000x64xf32, #tpu.memory_space<hbm>> -> memref<1000000x64xf32, #tpu.memory_space<hbm>>
      tpu.wait_indirect_dma semaphore(%arg18 : memref<!tpu.dma_semaphore, #tpu.memory_space<semaphore_mem>>) src(%dma_wait3A_330 : memref<1000000x64xf32, #tpu.memory_space<hbm>>) dst(%arg10 : memref<128x64xf32, #tpu.memory_space<vmem>>)
      %ge3A_331 = arith.constant 4 : i32
      %ge3A_332 = arith.cmpi sge, %add3A_315, %ge3A_331 : i32
      %convert_element_type3A_333 = arith.extui %ge3A_332 : i1 to i32
      %cond3A_334 = arith.constant 0 : i32
      %cond3A_335 = arith.cmpi ne, %convert_element_type3A_333, %cond3A_334 : i32
      scf.if %cond3A_335 {
        %sub3A_528 = arith.constant 4 : i32
        %sub3A_529 = arith.subi %add3A_315, %sub3A_528 : i32
        %dma_wait3A_530 = arith.constant 0 : i32
        %dma_wait3A_531 = arith.constant 0 : i32
        %dma_wait3A_532 = arith.constant 0 : i32
        %dma_wait3A_533 = tpu.memref_slice %arg14[%dma_wait3A_530, %dma_wait3A_531, %dma_wait3A_532] : memref<8x8x129xf32, #tpu.memory_space<vmem>> -> memref<8x8x128xf32, #tpu.memory_space<vmem>>
        %dma_wait3A_534 = arith.constant 0 : i32
        %dma_wait3A_535 = arith.constant 0 : i32
        %dma_wait3A_536 = arith.constant 0 : i32
        %dma_wait3A_537 = tpu.memref_slice %arg5[%sub3A_529, %dma_wait3A_534, %add3A, %dma_wait3A_535, %dma_wait3A_536] : memref<200x8x32x8x128xf32, #tpu.memory_space<hbm>> -> memref<1x8x1x8x128xf32, #tpu.memory_space<hbm>>
        %dma_wait3A_538 = tpu.memref_squeeze %dma_wait3A_537 : memref<1x8x1x8x128xf32, #tpu.memory_space<hbm>> -> memref<8x8x128xf32, #tpu.memory_space<hbm>>
        %dma_wait3A_539 = arith.constant 0 : i32
        %dma_wait3A_540 = arith.constant 0 : i32
        %dma_wait3A_541 = arith.constant 0 : i32
        %dma_wait3A_542 = tpu.memref_slice %arg5[%sub3A_529, %dma_wait3A_539, %add3A, %dma_wait3A_540, %dma_wait3A_541] : memref<200x8x32x8x128xf32, #tpu.memory_space<hbm>> -> memref<1x8x1x8x128xf32, #tpu.memory_space<hbm>>
        %dma_wait3A_543 = tpu.memref_squeeze %dma_wait3A_542 : memref<1x8x1x8x128xf32, #tpu.memory_space<hbm>> -> memref<8x8x128xf32, #tpu.memory_space<hbm>>
        %dma_wait3A_544 = arith.constant 0 : i32
        %dma_wait3A_545 = arith.constant 0 : i32
        %dma_wait3A_546 = arith.constant 0 : i32
        %dma_wait3A_547 = tpu.memref_slice %arg14[%dma_wait3A_544, %dma_wait3A_545, %dma_wait3A_546] : memref<8x8x129xf32, #tpu.memory_space<vmem>> -> memref<8x8x128xf32, #tpu.memory_space<vmem>>
        tpu.wait_dma2 semaphore(%arg22 : memref<!tpu.dma_semaphore, #tpu.memory_space<semaphore_mem>>) src(%dma_wait3A_547 : memref<8x8x128xf32, #tpu.memory_space<vmem>>) dst(%dma_wait3A_543 : memref<8x8x128xf32, #tpu.memory_space<hbm>>)
      } else {
      }
      %get3A_336 = arith.index_cast %add3A_315 : i32 to index
      %get3A_337 = arith.constant 0 : index
      %get3A_338 = tpu.vector_load %arg7[%get3A_336, %get3A_337] {strides = array<i32>} : memref<200x64xf32, #tpu.memory_space<vmem>>, vector<16xf32>,
      %get3A_339 = arith.index_cast %add3A_315 : i32 to index
      %get3A_340 = arith.constant 16 : index
      %get3A_341 = tpu.vector_load %arg7[%get3A_339, %get3A_340] {strides = array<i32>} : memref<200x64xf32, #tpu.memory_space<vmem>>, vector<16xf32>,
      %get3A_342 = arith.index_cast %add3A_315 : i32 to index
      %get3A_343 = arith.constant 32 : index
      %get3A_344 = tpu.vector_load %arg7[%get3A_342, %get3A_343] {strides = array<i32>} : memref<200x64xf32, #tpu.memory_space<vmem>>, vector<16xf32>,
      %get3A_345 = arith.index_cast %add3A_315 : i32 to index
      %get3A_346 = arith.constant 48 : index
      %get3A_347 = tpu.vector_load %arg7[%get3A_345, %get3A_346] {strides = array<i32>} : memref<200x64xf32, #tpu.memory_space<vmem>>, vector<16xf32>,
      %add3A_348 = arith.constant 0 : i32
      %add3A_349 = vector.broadcast %add3A_348 : i32 to vector<16xi32>
      %add3A_350 = arith.addi %iota3A, %add3A_349 : vector<16xi32>
      %shift_right_logical3A_351 = arith.constant 3 : i32
      %shift_right_logical3A_352 = vector.broadcast %shift_right_logical3A_351 : i32 to vector<16xi32>
      %shift_right_logical3A_353 = arith.shrui %add3A_350, %shift_right_logical3A_352 : vector<16xi32>
      %add3A_354 = arith.constant 16 : i32
      %add3A_355 = vector.broadcast %add3A_354 : i32 to vector<16xi32>
      %add3A_356 = arith.addi %iota3A, %add3A_355 : vector<16xi32>
      %shift_right_logical3A_357 = arith.constant 3 : i32
      %shift_right_logical3A_358 = vector.broadcast %shift_right_logical3A_357 : i32 to vector<16xi32>
      %shift_right_logical3A_359 = arith.shrui %add3A_356, %shift_right_logical3A_358 : vector<16xi32>
      %add3A_360 = arith.constant 32 : i32
      %add3A_361 = vector.broadcast %add3A_360 : i32 to vector<16xi32>
      %add3A_362 = arith.addi %iota3A, %add3A_361 : vector<16xi32>
      %shift_right_logical3A_363 = arith.constant 3 : i32
      %shift_right_logical3A_364 = vector.broadcast %shift_right_logical3A_363 : i32 to vector<16xi32>
      %shift_right_logical3A_365 = arith.shrui %add3A_362, %shift_right_logical3A_364 : vector<16xi32>
      %add3A_366 = arith.constant 48 : i32
      %add3A_367 = vector.broadcast %add3A_366 : i32 to vector<16xi32>
      %add3A_368 = arith.addi %iota3A, %add3A_367 : vector<16xi32>
      %shift_right_logical3A_369 = arith.constant 3 : i32
      %shift_right_logical3A_370 = vector.broadcast %shift_right_logical3A_369 : i32 to vector<16xi32>
      %shift_right_logical3A_371 = arith.shrui %add3A_368, %shift_right_logical3A_370 : vector<16xi32>
      %add3A_372 = arith.constant 0 : i32
      %add3A_373 = vector.broadcast %add3A_372 : i32 to vector<16xi32>
      %add3A_374 = arith.addi %iota3A, %add3A_373 : vector<16xi32>
      %and3A_375 = arith.constant 7 : i32
      %and3A_376 = vector.broadcast %and3A_375 : i32 to vector<16xi32>
      %and3A_377 = arith.andi %add3A_374, %and3A_376 : vector<16xi32>
      %add3A_378 = arith.constant 16 : i32
      %add3A_379 = vector.broadcast %add3A_378 : i32 to vector<16xi32>
      %add3A_380 = arith.addi %iota3A, %add3A_379 : vector<16xi32>
      %and3A_381 = arith.constant 7 : i32
      %and3A_382 = vector.broadcast %and3A_381 : i32 to vector<16xi32>
      %and3A_383 = arith.andi %add3A_380, %and3A_382 : vector<16xi32>
      %add3A_384 = arith.constant 32 : i32
      %add3A_385 = vector.broadcast %add3A_384 : i32 to vector<16xi32>
      %add3A_386 = arith.addi %iota3A, %add3A_385 : vector<16xi32>
      %and3A_387 = arith.constant 7 : i32
      %and3A_388 = vector.broadcast %and3A_387 : i32 to vector<16xi32>
      %and3A_389 = arith.andi %add3A_386, %and3A_388 : vector<16xi32>
      %add3A_390 = arith.constant 48 : i32
      %add3A_391 = vector.broadcast %add3A_390 : i32 to vector<16xi32>
      %add3A_392 = arith.addi %iota3A, %add3A_391 : vector<16xi32>
      %and3A_393 = arith.constant 7 : i32
      %and3A_394 = vector.broadcast %and3A_393 : i32 to vector<16xi32>
      %and3A_395 = arith.andi %add3A_392, %and3A_394 : vector<16xi32>
      %scan3A_396 = arith.constant 0 : i32
      %scan3A_397 = arith.constant 0 : i32
      %scan3A_398 = arith.constant 64 : i32
      %scan3A_399 = arith.addi %scan3A_397, %scan3A_398 : i32
      %scan3A_400 = arith.constant 1 : i32
      scf.for %scan3A_528 = %scan3A_397 to %scan3A_399 step %scan3A_400  : i32 {
        %mul3A_529 = arith.constant 2 : i32
        %mul3A_530 = arith.muli %scan3A_528, %mul3A_529 : i32
        %add3A_531 = arith.constant 0 : i32
        %add3A_532 = arith.addi %mul3A_530, %add3A_531 : i32
        %broadcast_in_dim3A = vector.broadcast %add3A_532 : i32 to vector<16xi32>
        %add3A_533 = arith.constant 0 : i32
        %add3A_534 = arith.addi %mul3A_530, %add3A_533 : i32
        %get3A_535 = arith.index_cast %add3A_534 : i32 to index
        %get3A_536 = arith.constant 0 : index
        %get3A_537 = tpu.vector_load %arg10[%get3A_535, %get3A_536] {strides = array<i32>} : memref<128x64xf32, #tpu.memory_space<vmem>>, vector<16xf32>,
        %add3A_538 = arith.addf %get3A_537, %get3A_338 : vector<16xf32>
        tpu.vector_store_idx %arg14[%shift_right_logical3A_353, %and3A_377, %broadcast_in_dim3A], %add3A_538 : memref<8x8x129xf32, #tpu.memory_space<vmem>>[vector<16xi32>, vector<16xi32>, vector<16xi32>], vector<16xf32>,
        %add3A_539 = arith.constant 0 : i32
        %add3A_540 = arith.addi %mul3A_530, %add3A_539 : i32
        %get3A_541 = arith.index_cast %add3A_540 : i32 to index
        %get3A_542 = arith.constant 16 : index
        %get3A_543 = tpu.vector_load %arg10[%get3A_541, %get3A_542] {strides = array<i32>} : memref<128x64xf32, #tpu.memory_space<vmem>>, vector<16xf32>,
        %add3A_544 = arith.addf %get3A_543, %get3A_341 : vector<16xf32>
        tpu.vector_store_idx %arg14[%shift_right_logical3A_359, %and3A_383, %broadcast_in_dim3A], %add3A_544 : memref<8x8x129xf32, #tpu.memory_space<vmem>>[vector<16xi32>, vector<16xi32>, vector<16xi32>], vector<16xf32>,
        %add3A_545 = arith.constant 0 : i32
        %add3A_546 = arith.addi %mul3A_530, %add3A_545 : i32
        %get3A_547 = arith.index_cast %add3A_546 : i32 to index
        %get3A_548 = arith.constant 32 : index
        %get3A_549 = tpu.vector_load %arg10[%get3A_547, %get3A_548] {strides = array<i32>} : memref<128x64xf32, #tpu.memory_space<vmem>>, vector<16xf32>,
        %add3A_550 = arith.addf %get3A_549, %get3A_344 : vector<16xf32>
        tpu.vector_store_idx %arg14[%shift_right_logical3A_365, %and3A_389, %broadcast_in_dim3A], %add3A_550 : memref<8x8x129xf32, #tpu.memory_space<vmem>>[vector<16xi32>, vector<16xi32>, vector<16xi32>], vector<16xf32>,
        %add3A_551 = arith.constant 0 : i32
        %add3A_552 = arith.addi %mul3A_530, %add3A_551 : i32
        %get3A_553 = arith.index_cast %add3A_552 : i32 to index
        %get3A_554 = arith.constant 48 : index
        %get3A_555 = tpu.vector_load %arg10[%get3A_553, %get3A_554] {strides = array<i32>} : memref<128x64xf32, #tpu.memory_space<vmem>>, vector<16xf32>,
        %add3A_556 = arith.addf %get3A_555, %get3A_347 : vector<16xf32>
        tpu.vector_store_idx %arg14[%shift_right_logical3A_371, %and3A_395, %broadcast_in_dim3A], %add3A_556 : memref<8x8x129xf32, #tpu.memory_space<vmem>>[vector<16xi32>, vector<16xi32>, vector<16xi32>], vector<16xf32>,
        %add3A_557 = arith.constant 1 : i32
        %add3A_558 = arith.addi %mul3A_530, %add3A_557 : i32
        %broadcast_in_dim3A_559 = vector.broadcast %add3A_558 : i32 to vector<16xi32>
        %add3A_560 = arith.constant 1 : i32
        %add3A_561 = arith.addi %mul3A_530, %add3A_560 : i32
        %get3A_562 = arith.index_cast %add3A_561 : i32 to index
        %get3A_563 = arith.constant 0 : index
        %get3A_564 = tpu.vector_load %arg10[%get3A_562, %get3A_563] {strides = array<i32>} : memref<128x64xf32, #tpu.memory_space<vmem>>, vector<16xf32>,
        %add3A_565 = arith.addf %get3A_564, %get3A_338 : vector<16xf32>
        tpu.vector_store_idx %arg14[%shift_right_logical3A_353, %and3A_377, %broadcast_in_dim3A_559], %add3A_565 : memref<8x8x129xf32, #tpu.memory_space<vmem>>[vector<16xi32>, vector<16xi32>, vector<16xi32>], vector<16xf32>,
        %add3A_566 = arith.constant 1 : i32
        %add3A_567 = arith.addi %mul3A_530, %add3A_566 : i32
        %get3A_568 = arith.index_cast %add3A_567 : i32 to index
        %get3A_569 = arith.constant 16 : index
        %get3A_570 = tpu.vector_load %arg10[%get3A_568, %get3A_569] {strides = array<i32>} : memref<128x64xf32, #tpu.memory_space<vmem>>, vector<16xf32>,
        %add3A_571 = arith.addf %get3A_570, %get3A_341 : vector<16xf32>
        tpu.vector_store_idx %arg14[%shift_right_logical3A_359, %and3A_383, %broadcast_in_dim3A_559], %add3A_571 : memref<8x8x129xf32, #tpu.memory_space<vmem>>[vector<16xi32>, vector<16xi32>, vector<16xi32>], vector<16xf32>,
        %add3A_572 = arith.constant 1 : i32
        %add3A_573 = arith.addi %mul3A_530, %add3A_572 : i32
        %get3A_574 = arith.index_cast %add3A_573 : i32 to index
        %get3A_575 = arith.constant 32 : index
        %get3A_576 = tpu.vector_load %arg10[%get3A_574, %get3A_575] {strides = array<i32>} : memref<128x64xf32, #tpu.memory_space<vmem>>, vector<16xf32>,
        %add3A_577 = arith.addf %get3A_576, %get3A_344 : vector<16xf32>
        tpu.vector_store_idx %arg14[%shift_right_logical3A_365, %and3A_389, %broadcast_in_dim3A_559], %add3A_577 : memref<8x8x129xf32, #tpu.memory_space<vmem>>[vector<16xi32>, vector<16xi32>, vector<16xi32>], vector<16xf32>,
        %add3A_578 = arith.constant 1 : i32
        %add3A_579 = arith.addi %mul3A_530, %add3A_578 : i32
        %get3A_580 = arith.index_cast %add3A_579 : i32 to index
        %get3A_581 = arith.constant 48 : index
        %get3A_582 = tpu.vector_load %arg10[%get3A_580, %get3A_581] {strides = array<i32>} : memref<128x64xf32, #tpu.memory_space<vmem>>, vector<16xf32>,
        %add3A_583 = arith.addf %get3A_582, %get3A_347 : vector<16xf32>
        tpu.vector_store_idx %arg14[%shift_right_logical3A_371, %and3A_395, %broadcast_in_dim3A_559], %add3A_583 : memref<8x8x129xf32, #tpu.memory_space<vmem>>[vector<16xi32>, vector<16xi32>, vector<16xi32>], vector<16xf32>,
      }
      %scan3A_401 = arith.constant 64 : i32
      %dma_start3A_402 = arith.constant 0 : i32
      %dma_start3A_403 = arith.constant 0 : i32
      %dma_start3A_404 = arith.constant 0 : i32
      %dma_start3A_405 = tpu.memref_slice %arg14[%dma_start3A_402, %dma_start3A_403, %dma_start3A_404] : memref<8x8x129xf32, #tpu.memory_space<vmem>> -> memref<8x8x128xf32, #tpu.memory_space<vmem>>
      %dma_start3A_406 = arith.constant 0 : i32
      %dma_start3A_407 = arith.constant 0 : i32
      %dma_start3A_408 = arith.constant 0 : i32
      %dma_start3A_409 = tpu.memref_slice %arg5[%add3A_315, %dma_start3A_406, %add3A, %dma_start3A_407, %dma_start3A_408] : memref<200x8x32x8x128xf32, #tpu.memory_space<hbm>> -> memref<1x8x1x8x128xf32, #tpu.memory_space<hbm>>
      %dma_start3A_410 = tpu.memref_squeeze %dma_start3A_409 : memref<1x8x1x8x128xf32, #tpu.memory_space<hbm>> -> memref<8x8x128xf32, #tpu.memory_space<hbm>>
      %dma_start3A_411 = arith.constant 0 : i32
      %dma_start3A_412 = arith.constant 0 : i32
      %dma_start3A_413 = arith.constant 0 : i32
      %dma_start3A_414 = tpu.memref_slice %arg5[%add3A_315, %dma_start3A_411, %add3A, %dma_start3A_412, %dma_start3A_413] : memref<200x8x32x8x128xf32, #tpu.memory_space<hbm>> -> memref<1x8x1x8x128xf32, #tpu.memory_space<hbm>>
      %dma_start3A_415 = tpu.memref_squeeze %dma_start3A_414 : memref<1x8x1x8x128xf32, #tpu.memory_space<hbm>> -> memref<8x8x128xf32, #tpu.memory_space<hbm>>
      %dma_start3A_416 = arith.constant 0 : i32
      %dma_start3A_417 = arith.constant 0 : i32
      %dma_start3A_418 = arith.constant 0 : i32
      %dma_start3A_419 = tpu.memref_slice %arg14[%dma_start3A_416, %dma_start3A_417, %dma_start3A_418] : memref<8x8x129xf32, #tpu.memory_space<vmem>> -> memref<8x8x128xf32, #tpu.memory_space<vmem>>
      tpu.enqueue_dma source(%dma_start3A_419 : memref<8x8x128xf32, #tpu.memory_space<vmem>>) target(%dma_start3A_415 : memref<8x8x128xf32, #tpu.memory_space<hbm>>) target_semaphore(%arg22 : memref<!tpu.dma_semaphore, #tpu.memory_space<semaphore_mem>>)
      %mul3A_420 = arith.constant 4 : i32
      %mul3A_421 = arith.muli %scan3A_103, %mul3A_420 : i32
      %add3A_422 = arith.constant 3 : i32
      %add3A_423 = arith.addi %mul3A_421, %add3A_422 : i32
      %add3A_424 = arith.constant 4 : i32
      %add3A_425 = arith.addi %add3A_423, %add3A_424 : i32
      %sub3A_426 = arith.constant 1 : i32
      %sub3A_427 = arith.subi %add3A_425, %sub3A_426 : i32
      %lt3A_428 = arith.constant 200 : i32
      %lt3A_429 = arith.cmpi slt, %sub3A_427, %lt3A_428 : i32
      %convert_element_type3A_430 = arith.extui %lt3A_429 : i1 to i32
      %cond3A_431 = arith.constant 0 : i32
      %cond3A_432 = arith.cmpi ne, %convert_element_type3A_430, %cond3A_431 : i32
      scf.if %cond3A_432 {
        %dma_start3A_528 = arith.constant 0 : i32
        %dma_start3A_529 = tpu.memref_slice %arg6[%sub3A_427, %dma_start3A_528] : memref<200x128xi32, #tpu.memory_space<vmem>> -> memref<1x128xi32, #tpu.memory_space<vmem>>
        %dma_start3A_530 = tpu.memref_squeeze %dma_start3A_529 : memref<1x128xi32, #tpu.memory_space<vmem>> -> memref<128xi32, #tpu.memory_space<vmem>>
        %dma_start3A_531 = arith.constant 0 : i32
        %dma_start3A_532 = arith.constant 0 : i32
        %dma_start3A_533 = tpu.memref_slice %arg3[%dma_start3A_531, %dma_start3A_532] : memref<1000000x64xf32, #tpu.memory_space<hbm>> -> memref<1000000x64xf32, #tpu.memory_space<hbm>>
        tpu.enqueue_indirect_dma source(%dma_start3A_533 : memref<1000000x64xf32, #tpu.memory_space<hbm>>) target(%arg10 : memref<128x64xf32, #tpu.memory_space<vmem>>) offsets(%dma_start3A_530 : memref<128xi32, #tpu.memory_space<vmem>>) semaphore(%arg18 : memref<!tpu.dma_semaphore, #tpu.memory_space<semaphore_mem>>)
      } else {
      }
      %dma_wait3A_433 = arith.constant 0 : i32
      %dma_wait3A_434 = tpu.memref_slice %arg6[%add3A_423, %dma_wait3A_433] : memref<200x128xi32, #tpu.memory_space<vmem>> -> memref<1x128xi32, #tpu.memory_space<vmem>>
      %dma_wait3A_435 = tpu.memref_squeeze %dma_wait3A_434 : memref<1x128xi32, #tpu.memory_space<vmem>> -> memref<128xi32, #tpu.memory_space<vmem>>
      %dma_wait3A_436 = arith.constant 0 : i32
      %dma_wait3A_437 = arith.constant 0 : i32
      %dma_wait3A_438 = tpu.memref_slice %arg3[%dma_wait3A_436, %dma_wait3A_437] : memref<1000000x64xf32, #tpu.memory_space<hbm>> -> memref<1000000x64xf32, #tpu.memory_space<hbm>>
      tpu.wait_indirect_dma semaphore(%arg19 : memref<!tpu.dma_semaphore, #tpu.memory_space<semaphore_mem>>) src(%dma_wait3A_438 : memref<1000000x64xf32, #tpu.memory_space<hbm>>) dst(%arg11 : memref<128x64xf32, #tpu.memory_space<vmem>>)
      %ge3A_439 = arith.constant 4 : i32
      %ge3A_440 = arith.cmpi sge, %add3A_423, %ge3A_439 : i32
      %convert_element_type3A_441 = arith.extui %ge3A_440 : i1 to i32
      %cond3A_442 = arith.constant 0 : i32
      %cond3A_443 = arith.cmpi ne, %convert_element_type3A_441, %cond3A_442 : i32
      scf.if %cond3A_443 {
        %sub3A_528 = arith.constant 4 : i32
        %sub3A_529 = arith.subi %add3A_423, %sub3A_528 : i32
        %dma_wait3A_530 = arith.constant 0 : i32
        %dma_wait3A_531 = arith.constant 0 : i32
        %dma_wait3A_532 = arith.constant 0 : i32
        %dma_wait3A_533 = tpu.memref_slice %arg15[%dma_wait3A_530, %dma_wait3A_531, %dma_wait3A_532] : memref<8x8x129xf32, #tpu.memory_space<vmem>> -> memref<8x8x128xf32, #tpu.memory_space<vmem>>
        %dma_wait3A_534 = arith.constant 0 : i32
        %dma_wait3A_535 = arith.constant 0 : i32
        %dma_wait3A_536 = arith.constant 0 : i32
        %dma_wait3A_537 = tpu.memref_slice %arg5[%sub3A_529, %dma_wait3A_534, %add3A, %dma_wait3A_535, %dma_wait3A_536] : memref<200x8x32x8x128xf32, #tpu.memory_space<hbm>> -> memref<1x8x1x8x128xf32, #tpu.memory_space<hbm>>
        %dma_wait3A_538 = tpu.memref_squeeze %dma_wait3A_537 : memref<1x8x1x8x128xf32, #tpu.memory_space<hbm>> -> memref<8x8x128xf32, #tpu.memory_space<hbm>>
        %dma_wait3A_539 = arith.constant 0 : i32
        %dma_wait3A_540 = arith.constant 0 : i32
        %dma_wait3A_541 = arith.constant 0 : i32
        %dma_wait3A_542 = tpu.memref_slice %arg5[%sub3A_529, %dma_wait3A_539, %add3A, %dma_wait3A_540, %dma_wait3A_541] : memref<200x8x32x8x128xf32, #tpu.memory_space<hbm>> -> memref<1x8x1x8x128xf32, #tpu.memory_space<hbm>>
        %dma_wait3A_543 = tpu.memref_squeeze %dma_wait3A_542 : memref<1x8x1x8x128xf32, #tpu.memory_space<hbm>> -> memref<8x8x128xf32, #tpu.memory_space<hbm>>
        %dma_wait3A_544 = arith.constant 0 : i32
        %dma_wait3A_545 = arith.constant 0 : i32
        %dma_wait3A_546 = arith.constant 0 : i32
        %dma_wait3A_547 = tpu.memref_slice %arg15[%dma_wait3A_544, %dma_wait3A_545, %dma_wait3A_546] : memref<8x8x129xf32, #tpu.memory_space<vmem>> -> memref<8x8x128xf32, #tpu.memory_space<vmem>>
        tpu.wait_dma2 semaphore(%arg23 : memref<!tpu.dma_semaphore, #tpu.memory_space<semaphore_mem>>) src(%dma_wait3A_547 : memref<8x8x128xf32, #tpu.memory_space<vmem>>) dst(%dma_wait3A_543 : memref<8x8x128xf32, #tpu.memory_space<hbm>>)
      } else {
      }
      %get3A_444 = arith.index_cast %add3A_423 : i32 to index
      %get3A_445 = arith.constant 0 : index
      %get3A_446 = tpu.vector_load %arg7[%get3A_444, %get3A_445] {strides = array<i32>} : memref<200x64xf32, #tpu.memory_space<vmem>>, vector<16xf32>,
      %get3A_447 = arith.index_cast %add3A_423 : i32 to index
      %get3A_448 = arith.constant 16 : index
      %get3A_449 = tpu.vector_load %arg7[%get3A_447, %get3A_448] {strides = array<i32>} : memref<200x64xf32, #tpu.memory_space<vmem>>, vector<16xf32>,
      %get3A_450 = arith.index_cast %add3A_423 : i32 to index
      %get3A_451 = arith.constant 32 : index
      %get3A_452 = tpu.vector_load %arg7[%get3A_450, %get3A_451] {strides = array<i32>} : memref<200x64xf32, #tpu.memory_space<vmem>>, vector<16xf32>,
      %get3A_453 = arith.index_cast %add3A_423 : i32 to index
      %get3A_454 = arith.constant 48 : index
      %get3A_455 = tpu.vector_load %arg7[%get3A_453, %get3A_454] {strides = array<i32>} : memref<200x64xf32, #tpu.memory_space<vmem>>, vector<16xf32>,
      %add3A_456 = arith.constant 0 : i32
      %add3A_457 = vector.broadcast %add3A_456 : i32 to vector<16xi32>
      %add3A_458 = arith.addi %iota3A, %add3A_457 : vector<16xi32>
      %shift_right_logical3A_459 = arith.constant 3 : i32
      %shift_right_logical3A_460 = vector.broadcast %shift_right_logical3A_459 : i32 to vector<16xi32>
      %shift_right_logical3A_461 = arith.shrui %add3A_458, %shift_right_logical3A_460 : vector<16xi32>
      %add3A_462 = arith.constant 16 : i32
      %add3A_463 = vector.broadcast %add3A_462 : i32 to vector<16xi32>
      %add3A_464 = arith.addi %iota3A, %add3A_463 : vector<16xi32>
      %shift_right_logical3A_465 = arith.constant 3 : i32
      %shift_right_logical3A_466 = vector.broadcast %shift_right_logical3A_465 : i32 to vector<16xi32>
      %shift_right_logical3A_467 = arith.shrui %add3A_464, %shift_right_logical3A_466 : vector<16xi32>
      %add3A_468 = arith.constant 32 : i32
      %add3A_469 = vector.broadcast %add3A_468 : i32 to vector<16xi32>
      %add3A_470 = arith.addi %iota3A, %add3A_469 : vector<16xi32>
      %shift_right_logical3A_471 = arith.constant 3 : i32
      %shift_right_logical3A_472 = vector.broadcast %shift_right_logical3A_471 : i32 to vector<16xi32>
      %shift_right_logical3A_473 = arith.shrui %add3A_470, %shift_right_logical3A_472 : vector<16xi32>
      %add3A_474 = arith.constant 48 : i32
      %add3A_475 = vector.broadcast %add3A_474 : i32 to vector<16xi32>
      %add3A_476 = arith.addi %iota3A, %add3A_475 : vector<16xi32>
      %shift_right_logical3A_477 = arith.constant 3 : i32
      %shift_right_logical3A_478 = vector.broadcast %shift_right_logical3A_477 : i32 to vector<16xi32>
      %shift_right_logical3A_479 = arith.shrui %add3A_476, %shift_right_logical3A_478 : vector<16xi32>
      %add3A_480 = arith.constant 0 : i32
      %add3A_481 = vector.broadcast %add3A_480 : i32 to vector<16xi32>
      %add3A_482 = arith.addi %iota3A, %add3A_481 : vector<16xi32>
      %and3A_483 = arith.constant 7 : i32
      %and3A_484 = vector.broadcast %and3A_483 : i32 to vector<16xi32>
      %and3A_485 = arith.andi %add3A_482, %and3A_484 : vector<16xi32>
      %add3A_486 = arith.constant 16 : i32
      %add3A_487 = vector.broadcast %add3A_486 : i32 to vector<16xi32>
      %add3A_488 = arith.addi %iota3A, %add3A_487 : vector<16xi32>
      %and3A_489 = arith.constant 7 : i32
      %and3A_490 = vector.broadcast %and3A_489 : i32 to vector<16xi32>
      %and3A_491 = arith.andi %add3A_488, %and3A_490 : vector<16xi32>
      %add3A_492 = arith.constant 32 : i32
      %add3A_493 = vector.broadcast %add3A_492 : i32 to vector<16xi32>
      %add3A_494 = arith.addi %iota3A, %add3A_493 : vector<16xi32>
      %and3A_495 = arith.constant 7 : i32
      %and3A_496 = vector.broadcast %and3A_495 : i32 to vector<16xi32>
      %and3A_497 = arith.andi %add3A_494, %and3A_496 : vector<16xi32>
      %add3A_498 = arith.constant 48 : i32
      %add3A_499 = vector.broadcast %add3A_498 : i32 to vector<16xi32>
      %add3A_500 = arith.addi %iota3A, %add3A_499 : vector<16xi32>
      %and3A_501 = arith.constant 7 : i32
      %and3A_502 = vector.broadcast %and3A_501 : i32 to vector<16xi32>
      %and3A_503 = arith.andi %add3A_500, %and3A_502 : vector<16xi32>
      %scan3A_504 = arith.constant 0 : i32
      %scan3A_505 = arith.constant 0 : i32
      %scan3A_506 = arith.constant 64 : i32
      %scan3A_507 = arith.addi %scan3A_505, %scan3A_506 : i32
      %scan3A_508 = arith.constant 1 : i32
      scf.for %scan3A_528 = %scan3A_505 to %scan3A_507 step %scan3A_508  : i32 {
        %mul3A_529 = arith.constant 2 : i32
        %mul3A_530 = arith.muli %scan3A_528, %mul3A_529 : i32
        %add3A_531 = arith.constant 0 : i32
        %add3A_532 = arith.addi %mul3A_530, %add3A_531 : i32
        %broadcast_in_dim3A = vector.broadcast %add3A_532 : i32 to vector<16xi32>
        %add3A_533 = arith.constant 0 : i32
        %add3A_534 = arith.addi %mul3A_530, %add3A_533 : i32
        %get3A_535 = arith.index_cast %add3A_534 : i32 to index
        %get3A_536 = arith.constant 0 : index
        %get3A_537 = tpu.vector_load %arg11[%get3A_535, %get3A_536] {strides = array<i32>} : memref<128x64xf32, #tpu.memory_space<vmem>>, vector<16xf32>,
        %add3A_538 = arith.addf %get3A_537, %get3A_446 : vector<16xf32>
        tpu.vector_store_idx %arg15[%shift_right_logical3A_461, %and3A_485, %broadcast_in_dim3A], %add3A_538 : memref<8x8x129xf32, #tpu.memory_space<vmem>>[vector<16xi32>, vector<16xi32>, vector<16xi32>], vector<16xf32>,
        %add3A_539 = arith.constant 0 : i32
        %add3A_540 = arith.addi %mul3A_530, %add3A_539 : i32
        %get3A_541 = arith.index_cast %add3A_540 : i32 to index
        %get3A_542 = arith.constant 16 : index
        %get3A_543 = tpu.vector_load %arg11[%get3A_541, %get3A_542] {strides = array<i32>} : memref<128x64xf32, #tpu.memory_space<vmem>>, vector<16xf32>,
        %add3A_544 = arith.addf %get3A_543, %get3A_449 : vector<16xf32>
        tpu.vector_store_idx %arg15[%shift_right_logical3A_467, %and3A_491, %broadcast_in_dim3A], %add3A_544 : memref<8x8x129xf32, #tpu.memory_space<vmem>>[vector<16xi32>, vector<16xi32>, vector<16xi32>], vector<16xf32>,
        %add3A_545 = arith.constant 0 : i32
        %add3A_546 = arith.addi %mul3A_530, %add3A_545 : i32
        %get3A_547 = arith.index_cast %add3A_546 : i32 to index
        %get3A_548 = arith.constant 32 : index
        %get3A_549 = tpu.vector_load %arg11[%get3A_547, %get3A_548] {strides = array<i32>} : memref<128x64xf32, #tpu.memory_space<vmem>>, vector<16xf32>,
        %add3A_550 = arith.addf %get3A_549, %get3A_452 : vector<16xf32>
        tpu.vector_store_idx %arg15[%shift_right_logical3A_473, %and3A_497, %broadcast_in_dim3A], %add3A_550 : memref<8x8x129xf32, #tpu.memory_space<vmem>>[vector<16xi32>, vector<16xi32>, vector<16xi32>], vector<16xf32>,
        %add3A_551 = arith.constant 0 : i32
        %add3A_552 = arith.addi %mul3A_530, %add3A_551 : i32
        %get3A_553 = arith.index_cast %add3A_552 : i32 to index
        %get3A_554 = arith.constant 48 : index
        %get3A_555 = tpu.vector_load %arg11[%get3A_553, %get3A_554] {strides = array<i32>} : memref<128x64xf32, #tpu.memory_space<vmem>>, vector<16xf32>,
        %add3A_556 = arith.addf %get3A_555, %get3A_455 : vector<16xf32>
        tpu.vector_store_idx %arg15[%shift_right_logical3A_479, %and3A_503, %broadcast_in_dim3A], %add3A_556 : memref<8x8x129xf32, #tpu.memory_space<vmem>>[vector<16xi32>, vector<16xi32>, vector<16xi32>], vector<16xf32>,
        %add3A_557 = arith.constant 1 : i32
        %add3A_558 = arith.addi %mul3A_530, %add3A_557 : i32
        %broadcast_in_dim3A_559 = vector.broadcast %add3A_558 : i32 to vector<16xi32>
        %add3A_560 = arith.constant 1 : i32
        %add3A_561 = arith.addi %mul3A_530, %add3A_560 : i32
        %get3A_562 = arith.index_cast %add3A_561 : i32 to index
        %get3A_563 = arith.constant 0 : index
        %get3A_564 = tpu.vector_load %arg11[%get3A_562, %get3A_563] {strides = array<i32>} : memref<128x64xf32, #tpu.memory_space<vmem>>, vector<16xf32>,
        %add3A_565 = arith.addf %get3A_564, %get3A_446 : vector<16xf32>
        tpu.vector_store_idx %arg15[%shift_right_logical3A_461, %and3A_485, %broadcast_in_dim3A_559], %add3A_565 : memref<8x8x129xf32, #tpu.memory_space<vmem>>[vector<16xi32>, vector<16xi32>, vector<16xi32>], vector<16xf32>,
        %add3A_566 = arith.constant 1 : i32
        %add3A_567 = arith.addi %mul3A_530, %add3A_566 : i32
        %get3A_568 = arith.index_cast %add3A_567 : i32 to index
        %get3A_569 = arith.constant 16 : index
        %get3A_570 = tpu.vector_load %arg11[%get3A_568, %get3A_569] {strides = array<i32>} : memref<128x64xf32, #tpu.memory_space<vmem>>, vector<16xf32>,
        %add3A_571 = arith.addf %get3A_570, %get3A_449 : vector<16xf32>
        tpu.vector_store_idx %arg15[%shift_right_logical3A_467, %and3A_491, %broadcast_in_dim3A_559], %add3A_571 : memref<8x8x129xf32, #tpu.memory_space<vmem>>[vector<16xi32>, vector<16xi32>, vector<16xi32>], vector<16xf32>,
        %add3A_572 = arith.constant 1 : i32
        %add3A_573 = arith.addi %mul3A_530, %add3A_572 : i32
        %get3A_574 = arith.index_cast %add3A_573 : i32 to index
        %get3A_575 = arith.constant 32 : index
        %get3A_576 = tpu.vector_load %arg11[%get3A_574, %get3A_575] {strides = array<i32>} : memref<128x64xf32, #tpu.memory_space<vmem>>, vector<16xf32>,
        %add3A_577 = arith.addf %get3A_576, %get3A_452 : vector<16xf32>
        tpu.vector_store_idx %arg15[%shift_right_logical3A_473, %and3A_497, %broadcast_in_dim3A_559], %add3A_577 : memref<8x8x129xf32, #tpu.memory_space<vmem>>[vector<16xi32>, vector<16xi32>, vector<16xi32>], vector<16xf32>,
        %add3A_578 = arith.constant 1 : i32
        %add3A_579 = arith.addi %mul3A_530, %add3A_578 : i32
        %get3A_580 = arith.index_cast %add3A_579 : i32 to index
        %get3A_581 = arith.constant 48 : index
        %get3A_582 = tpu.vector_load %arg11[%get3A_580, %get3A_581] {strides = array<i32>} : memref<128x64xf32, #tpu.memory_space<vmem>>, vector<16xf32>,
        %add3A_583 = arith.addf %get3A_582, %get3A_455 : vector<16xf32>
        tpu.vector_store_idx %arg15[%shift_right_logical3A_479, %and3A_503, %broadcast_in_dim3A_559], %add3A_583 : memref<8x8x129xf32, #tpu.memory_space<vmem>>[vector<16xi32>, vector<16xi32>, vector<16xi32>], vector<16xf32>,
      }
      %scan3A_509 = arith.constant 64 : i32
      %dma_start3A_510 = arith.constant 0 : i32
      %dma_start3A_511 = arith.constant 0 : i32
      %dma_start3A_512 = arith.constant 0 : i32
      %dma_start3A_513 = tpu.memref_slice %arg15[%dma_start3A_510, %dma_start3A_511, %dma_start3A_512] : memref<8x8x129xf32, #tpu.memory_space<vmem>> -> memref<8x8x128xf32, #tpu.memory_space<vmem>>
      %dma_start3A_514 = arith.constant 0 : i32
      %dma_start3A_515 = arith.constant 0 : i32
      %dma_start3A_516 = arith.constant 0 : i32
      %dma_start3A_517 = tpu.memref_slice %arg5[%add3A_423, %dma_start3A_514, %add3A, %dma_start3A_515, %dma_start3A_516] : memref<200x8x32x8x128xf32, #tpu.memory_space<hbm>> -> memref<1x8x1x8x128xf32, #tpu.memory_space<hbm>>
      %dma_start3A_518 = tpu.memref_squeeze %dma_start3A_517 : memref<1x8x1x8x128xf32, #tpu.memory_space<hbm>> -> memref<8x8x128xf32, #tpu.memory_space<hbm>>
      %dma_start3A_519 = arith.constant 0 : i32
      %dma_start3A_520 = arith.constant 0 : i32
      %dma_start3A_521 = arith.constant 0 : i32
      %dma_start3A_522 = tpu.memref_slice %arg5[%add3A_423, %dma_start3A_519, %add3A, %dma_start3A_520, %dma_start3A_521] : memref<200x8x32x8x128xf32, #tpu.memory_space<hbm>> -> memref<1x8x1x8x128xf32, #tpu.memory_space<hbm>>
      %dma_start3A_523 = tpu.memref_squeeze %dma_start3A_522 : memref<1x8x1x8x128xf32, #tpu.memory_space<hbm>> -> memref<8x8x128xf32, #tpu.memory_space<hbm>>
      %dma_start3A_524 = arith.constant 0 : i32
      %dma_start3A_525 = arith.constant 0 : i32
      %dma_start3A_526 = arith.constant 0 : i32
      %dma_start3A_527 = tpu.memref_slice %arg15[%dma_start3A_524, %dma_start3A_525, %dma_start3A_526] : memref<8x8x129xf32, #tpu.memory_space<vmem>> -> memref<8x8x128xf32, #tpu.memory_space<vmem>>
      tpu.enqueue_dma source(%dma_start3A_527 : memref<8x8x128xf32, #tpu.memory_space<vmem>>) target(%dma_start3A_523 : memref<8x8x128xf32, #tpu.memory_space<hbm>>) target_semaphore(%arg23 : memref<!tpu.dma_semaphore, #tpu.memory_space<semaphore_mem>>)
    }
    %scan3A_27 = arith.constant 50 : i32
    %dma_wait3A = arith.constant 196 : i32
    %dma_wait3A_28 = arith.constant 0 : i32
    %dma_wait3A_29 = arith.constant 0 : i32
    %dma_wait3A_30 = arith.constant 0 : i32
    %dma_wait3A_31 = tpu.memref_slice %arg12[%dma_wait3A_28, %dma_wait3A_29, %dma_wait3A_30] : memref<8x8x129xf32, #tpu.memory_space<vmem>> -> memref<8x8x128xf32, #tpu.memory_space<vmem>>
    %dma_wait3A_32 = arith.constant 0 : i32
    %dma_wait3A_33 = arith.constant 0 : i32
    %dma_wait3A_34 = arith.constant 0 : i32
    %dma_wait3A_35 = tpu.memref_slice %arg5[%dma_wait3A, %dma_wait3A_32, %add3A, %dma_wait3A_33, %dma_wait3A_34] : memref<200x8x32x8x128xf32, #tpu.memory_space<hbm>> -> memref<1x8x1x8x128xf32, #tpu.memory_space<hbm>>
    %dma_wait3A_36 = tpu.memref_squeeze %dma_wait3A_35 : memref<1x8x1x8x128xf32, #tpu.memory_space<hbm>> -> memref<8x8x128xf32, #tpu.memory_space<hbm>>
    %dma_wait3A_37 = arith.constant 0 : i32
    %dma_wait3A_38 = arith.constant 0 : i32
    %dma_wait3A_39 = arith.constant 0 : i32
    %dma_wait3A_40 = tpu.memref_slice %arg5[%dma_wait3A, %dma_wait3A_37, %add3A, %dma_wait3A_38, %dma_wait3A_39] : memref<200x8x32x8x128xf32, #tpu.memory_space<hbm>> -> memref<1x8x1x8x128xf32, #tpu.memory_space<hbm>>
    %dma_wait3A_41 = tpu.memref_squeeze %dma_wait3A_40 : memref<1x8x1x8x128xf32, #tpu.memory_space<hbm>> -> memref<8x8x128xf32, #tpu.memory_space<hbm>>
    %dma_wait3A_42 = arith.constant 0 : i32
    %dma_wait3A_43 = arith.constant 0 : i32
    %dma_wait3A_44 = arith.constant 0 : i32
    %dma_wait3A_45 = tpu.memref_slice %arg12[%dma_wait3A_42, %dma_wait3A_43, %dma_wait3A_44] : memref<8x8x129xf32, #tpu.memory_space<vmem>> -> memref<8x8x128xf32, #tpu.memory_space<vmem>>
    tpu.wait_dma2 semaphore(%arg20 : memref<!tpu.dma_semaphore, #tpu.memory_space<semaphore_mem>>) src(%dma_wait3A_45 : memref<8x8x128xf32, #tpu.memory_space<vmem>>) dst(%dma_wait3A_41 : memref<8x8x128xf32, #tpu.memory_space<hbm>>)
    %dma_wait3A_46 = arith.constant 197 : i32
    %dma_wait3A_47 = arith.constant 0 : i32
    %dma_wait3A_48 = arith.constant 0 : i32
    %dma_wait3A_49 = arith.constant 0 : i32
    %dma_wait3A_50 = tpu.memref_slice %arg13[%dma_wait3A_47, %dma_wait3A_48, %dma_wait3A_49] : memref<8x8x129xf32, #tpu.memory_space<vmem>> -> memref<8x8x128xf32, #tpu.memory_space<vmem>>
    %dma_wait3A_51 = arith.constant 0 : i32
    %dma_wait3A_52 = arith.constant 0 : i32
    %dma_wait3A_53 = arith.constant 0 : i32
    %dma_wait3A_54 = tpu.memref_slice %arg5[%dma_wait3A_46, %dma_wait3A_51, %add3A, %dma_wait3A_52, %dma_wait3A_53] : memref<200x8x32x8x128xf32, #tpu.memory_space<hbm>> -> memref<1x8x1x8x128xf32, #tpu.memory_space<hbm>>
    %dma_wait3A_55 = tpu.memref_squeeze %dma_wait3A_54 : memref<1x8x1x8x128xf32, #tpu.memory_space<hbm>> -> memref<8x8x128xf32, #tpu.memory_space<hbm>>
    %dma_wait3A_56 = arith.constant 0 : i32
    %dma_wait3A_57 = arith.constant 0 : i32
    %dma_wait3A_58 = arith.constant 0 : i32
    %dma_wait3A_59 = tpu.memref_slice %arg5[%dma_wait3A_46, %dma_wait3A_56, %add3A, %dma_wait3A_57, %dma_wait3A_58] : memref<200x8x32x8x128xf32, #tpu.memory_space<hbm>> -> memref<1x8x1x8x128xf32, #tpu.memory_space<hbm>>
    %dma_wait3A_60 = tpu.memref_squeeze %dma_wait3A_59 : memref<1x8x1x8x128xf32, #tpu.memory_space<hbm>> -> memref<8x8x128xf32, #tpu.memory_space<hbm>>
    %dma_wait3A_61 = arith.constant 0 : i32
    %dma_wait3A_62 = arith.constant 0 : i32
    %dma_wait3A_63 = arith.constant 0 : i32
    %dma_wait3A_64 = tpu.memref_slice %arg13[%dma_wait3A_61, %dma_wait3A_62, %dma_wait3A_63] : memref<8x8x129xf32, #tpu.memory_space<vmem>> -> memref<8x8x128xf32, #tpu.memory_space<vmem>>
    tpu.wait_dma2 semaphore(%arg21 : memref<!tpu.dma_semaphore, #tpu.memory_space<semaphore_mem>>) src(%dma_wait3A_64 : memref<8x8x128xf32, #tpu.memory_space<vmem>>) dst(%dma_wait3A_60 : memref<8x8x128xf32, #tpu.memory_space<hbm>>)
    %dma_wait3A_65 = arith.constant 198 : i32
    %dma_wait3A_66 = arith.constant 0 : i32
    %dma_wait3A_67 = arith.constant 0 : i32
    %dma_wait3A_68 = arith.constant 0 : i32
    %dma_wait3A_69 = tpu.memref_slice %arg14[%dma_wait3A_66, %dma_wait3A_67, %dma_wait3A_68] : memref<8x8x129xf32, #tpu.memory_space<vmem>> -> memref<8x8x128xf32, #tpu.memory_space<vmem>>
    %dma_wait3A_70 = arith.constant 0 : i32
    %dma_wait3A_71 = arith.constant 0 : i32
    %dma_wait3A_72 = arith.constant 0 : i32
    %dma_wait3A_73 = tpu.memref_slice %arg5[%dma_wait3A_65, %dma_wait3A_70, %add3A, %dma_wait3A_71, %dma_wait3A_72] : memref<200x8x32x8x128xf32, #tpu.memory_space<hbm>> -> memref<1x8x1x8x128xf32, #tpu.memory_space<hbm>>
    %dma_wait3A_74 = tpu.memref_squeeze %dma_wait3A_73 : memref<1x8x1x8x128xf32, #tpu.memory_space<hbm>> -> memref<8x8x128xf32, #tpu.memory_space<hbm>>
    %dma_wait3A_75 = arith.constant 0 : i32
    %dma_wait3A_76 = arith.constant 0 : i32
    %dma_wait3A_77 = arith.constant 0 : i32
    %dma_wait3A_78 = tpu.memref_slice %arg5[%dma_wait3A_65, %dma_wait3A_75, %add3A, %dma_wait3A_76, %dma_wait3A_77] : memref<200x8x32x8x128xf32, #tpu.memory_space<hbm>> -> memref<1x8x1x8x128xf32, #tpu.memory_space<hbm>>
    %dma_wait3A_79 = tpu.memref_squeeze %dma_wait3A_78 : memref<1x8x1x8x128xf32, #tpu.memory_space<hbm>> -> memref<8x8x128xf32, #tpu.memory_space<hbm>>
    %dma_wait3A_80 = arith.constant 0 : i32
    %dma_wait3A_81 = arith.constant 0 : i32
    %dma_wait3A_82 = arith.constant 0 : i32
    %dma_wait3A_83 = tpu.memref_slice %arg14[%dma_wait3A_80, %dma_wait3A_81, %dma_wait3A_82] : memref<8x8x129xf32, #tpu.memory_space<vmem>> -> memref<8x8x128xf32, #tpu.memory_space<vmem>>
    tpu.wait_dma2 semaphore(%arg22 : memref<!tpu.dma_semaphore, #tpu.memory_space<semaphore_mem>>) src(%dma_wait3A_83 : memref<8x8x128xf32, #tpu.memory_space<vmem>>) dst(%dma_wait3A_79 : memref<8x8x128xf32, #tpu.memory_space<hbm>>)
    %dma_wait3A_84 = arith.constant 199 : i32
    %dma_wait3A_85 = arith.constant 0 : i32
    %dma_wait3A_86 = arith.constant 0 : i32
    %dma_wait3A_87 = arith.constant 0 : i32
    %dma_wait3A_88 = tpu.memref_slice %arg15[%dma_wait3A_85, %dma_wait3A_86, %dma_wait3A_87] : memref<8x8x129xf32, #tpu.memory_space<vmem>> -> memref<8x8x128xf32, #tpu.memory_space<vmem>>
    %dma_wait3A_89 = arith.constant 0 : i32
    %dma_wait3A_90 = arith.constant 0 : i32
    %dma_wait3A_91 = arith.constant 0 : i32
    %dma_wait3A_92 = tpu.memref_slice %arg5[%dma_wait3A_84, %dma_wait3A_89, %add3A, %dma_wait3A_90, %dma_wait3A_91] : memref<200x8x32x8x128xf32, #tpu.memory_space<hbm>> -> memref<1x8x1x8x128xf32, #tpu.memory_space<hbm>>
    %dma_wait3A_93 = tpu.memref_squeeze %dma_wait3A_92 : memref<1x8x1x8x128xf32, #tpu.memory_space<hbm>> -> memref<8x8x128xf32, #tpu.memory_space<hbm>>
    %dma_wait3A_94 = arith.constant 0 : i32
    %dma_wait3A_95 = arith.constant 0 : i32
    %dma_wait3A_96 = arith.constant 0 : i32
    %dma_wait3A_97 = tpu.memref_slice %arg5[%dma_wait3A_84, %dma_wait3A_94, %add3A, %dma_wait3A_95, %dma_wait3A_96] : memref<200x8x32x8x128xf32, #tpu.memory_space<hbm>> -> memref<1x8x1x8x128xf32, #tpu.memory_space<hbm>>
    %dma_wait3A_98 = tpu.memref_squeeze %dma_wait3A_97 : memref<1x8x1x8x128xf32, #tpu.memory_space<hbm>> -> memref<8x8x128xf32, #tpu.memory_space<hbm>>
    %dma_wait3A_99 = arith.constant 0 : i32
    %dma_wait3A_100 = arith.constant 0 : i32
    %dma_wait3A_101 = arith.constant 0 : i32
    %dma_wait3A_102 = tpu.memref_slice %arg15[%dma_wait3A_99, %dma_wait3A_100, %dma_wait3A_101] : memref<8x8x129xf32, #tpu.memory_space<vmem>> -> memref<8x8x128xf32, #tpu.memory_space<vmem>>
    tpu.wait_dma2 semaphore(%arg23 : memref<!tpu.dma_semaphore, #tpu.memory_space<semaphore_mem>>) src(%dma_wait3A_102 : memref<8x8x128xf32, #tpu.memory_space<vmem>>) dst(%dma_wait3A_98 : memref<8x8x128xf32, #tpu.memory_space<hbm>>)
    return
  }
}

</mosaic_0001>

<sc_bundles>
// kernel: kernel.3.cloned.1.call-start
scs
__scs_entry_jumppad:
0x0: {  	(pc) =	sbr.rel $0x88, $3  }
0x1: {  	(tag) =	ssettag $0x0;
	lr =	simm.s32 $0x1  }
0x2: {  	[smem:$0x3F9E] =	sst lr;
	_ =	strace $0xD0000000  }
0x3: {  	_ = 	snop  }
0x4: {  	_ = 	snop  }
0x5: {  	_ = 	snop  }
0x6: {  	_ = 	snop  }
0x7: {  	_ = 	snop  }
__scs_overlays_trampoline_lowered:
0x8: {  	[smem:$0x3FAD] =	sst s0  }
0x9: {  	[smem:$0x3FAE] =	sst s1  }
0xa: {  	[smem:$0x3FAF] =	sst s2  }
0xb: {  	[smem:$0x3FB0] =	sst s3  }
0xc: {  	[smem:$0x3FB1] =	sst s4  }
0xd: {  	[smem:$0x3FB2] =	sst s5  }
0xe: {  	[smem:$0x3FB3] =	sst s6  }
0xf: {  	[smem:$0x3FB4] =	sst s7  }
0x10: {  	[smem:$0x3FB5] =	sst s8  }
0x11: {  	[smem:$0x3FB6] =	sst s9;
	s0 =	simm.s32 @!p0 $0x0  }
0x12: {  	s1 =	sld [smem:$0x3F9C];
	s0 =	simm.s32 @p0 $0x1  }
0x13: {  	[smem:$0x3FB7] =	sst s0;
	s0 =	simm.s32 @!p1 $0x0  }
0x14: {  	s2 =	sld [smem:$0x3F9B];
	s0 =	simm.s32 @p1 $0x1  }
0x15: {  	[smem:$0x3FB8] =	sst s0;
	s0 =	simm.s32 @!p2 $0x0  }
0x16: {  	s3 =	sld [smem:$0x3FDB];
	s0 =	simm.s32 @p2 $0x1  }
0x17: {  	s4 =	simm.s32 $0x1BF5;
	[smem:$0x3FBA] =	sst s0  }
0x18: {  	s0 =	sld [smem:$0x3F9D];
	_ =	swait.ge [sflag:s4], $0x0  }
0x19: {  	s7 =	sld [smem:$0x3F9E]  }
0x1a: {  	s8 =	sadd.s32 $0xFFFFE003, lr  }
0x1b: {  	s9 =	sadd.s32 $0xFFFFFEF7, lr;
	s5 =	simm.s32 $0xFFFFFFFF;
	p2 =	slt.u32 s8, $0xFFFFF086  }
0x1c: {  	p1 =	slt.u32 s9, $0xF7A;
	s5 =	simm.s32 @!p2 $0x0  }
0x1d: {  	s5 =	simm.s32 @p1 $0x1;
	p0 =	seq.s32 s7, s2  }
0x1e: {  	s7 =	smul.u32 @!p0 $0xF7A, s2;
	p2 =	seq.s32 @!p0 s5, $0x0  }
0x1f: {  	s9 =	smul.u32 $0xF7A, s1;
	s8 =	simm.s32 @!p0 $0x1BF5;
	p2 =	por !p2, p0  }
0x20: {  	[sflag:s8] =	ssyncset.s32 @!p0 $0xFFFFF086;
	s6 =	sadd.s32 @!p0 s3, s7;
	s7 =	simm.s32 @!p0 $0x108  }
0x21: {  	s3 =	sadd.s32 s3, s9;
	s6 =	sadd.s32 @!p0 $0x88, s6;
	s7 =	simm.s32 @p2 $0x1082  }
0x22: {  	[simem:s7], [sflag:s8] =	dma.local @!p0 [hbm:s6], $0xF7A  }
0x23: {  	s9 =	sor.u32 $0xD0000000, s2;
	s6 =	simm.s32 $0x108;
	_ =	swait.ge @!p0 [sflag:s8], $0x0  }
0x24: {  	s3 =	sadd.s32 $0x88, s3;
	s6 =	simm.s32 @!p1 $0x1082;
	[sflag:s4] =	ssyncset.s32 $0xFFFFF086  }
0x25: {  	[simem:s6], [sflag:s4] =	dma.local [hbm:s3], $0xF7A  }
0x26: {  	[smem:$0x3F9E] =	sst s1;
	(tag) =	ssettag s2;
	_ =	strace s9  }
0x27: {  	s1 =	sld [smem:$0x3FAE]  }
0x28: {  	s2 =	sld [smem:$0x3FAF]  }
0x29: {  	s4 =	sld [smem:$0x3FB1]  }
0x2a: {  	p0 =	seq.s32 s5, $0x0;
	s5 =	sld [smem:$0x3FB2]  }
0x2b: {  	s6 =	sld [smem:$0x3FB3]  }
0x2c: {  	s7 =	sld [smem:$0x3FB4]  }
0x2d: {  	s3 =	simm.s32 $0x108;
	s8 =	sld [smem:$0x3FB5]  }
0x2e: {  	s3 =	simm.s32 @!p0 $0x1082;
	s9 =	sld [smem:$0x3FB6]  }
0x2f: {  	lr =	sadd.s32 s0, s3;
	s0 =	sld [smem:$0x3FAD]  }
0x30: {  	s3 =	sld [smem:$0x3FB0]  }
0x31: {  	[smem:$0x3FB9] =	sst s10  }
0x32: {  	s10 =	sld [smem:$0x3FB7];
	_ =	sdelay $0x3  }
0x33: {  	p0 =	seq.s32 s10, $0x1;
	s10 =	sld [smem:$0x3FB9];
	_ =	sdelay $0x3  }
0x34: {  	[smem:$0x3FB9] =	sst s10  }
0x35: {  	s10 =	sld [smem:$0x3FB8];
	_ =	sdelay $0x3  }
0x36: {  	p1 =	seq.s32 s10, $0x1;
	s10 =	sld [smem:$0x3FB9];
	_ =	sdelay $0x3  }
0x37: {  	[smem:$0x3FB9] =	sst s10  }
0x38: {  	s10 =	sld [smem:$0x3FBA]  }
0x39: {  	_ = 	snop;
	(pc) =	sbr.ind lr, $3  }
0x3a: {  	_ = 	snop  }
0x3b: {  	_ = 	snop  }
0x3c: {  	p2 =	seq.s32 s10, $0x1;
	s10 =	sld [smem:$0x3FB9]  }
0x3d: {  	_ =	shalt  }
0x3e: {  	_ =	shalt  }
0x3f: {  	_ =	shalt  }
0x40: {  	_ =	shalt  }
0x41: {  	_ =	shalt  }
0x42: {  	_ =	shalt  }
0x43: {  	_ =	shalt  }
0x44: {  	_ =	shalt  }
0x45: {  	_ =	shalt  }
0x46: {  	_ =	shalt  }
0x47: {  	_ =	shalt  }
0x48: {  	_ =	shalt  }
0x49: {  	_ =	shalt  }
0x4a: {  	_ =	shalt  }
0x4b: {  	_ =	shalt  }
0x4c: {  	_ =	shalt  }
0x4d: {  	_ =	shalt  }
0x4e: {  	_ =	shalt  }
0x4f: {  	_ =	shalt  }
0x50: {  	_ =	shalt  }
0x51: {  	_ =	shalt  }
0x52: {  	_ =	shalt  }
0x53: {  	_ =	shalt  }
0x54: {  	_ =	shalt  }
0x55: {  	_ =	shalt  }
0x56: {  	_ =	shalt  }
0x57: {  	_ =	shalt  }
0x58: {  	_ =	shalt  }
0x59: {  	_ =	shalt  }
0x5a: {  	_ =	shalt  }
0x5b: {  	_ =	shalt  }
0x5c: {  	_ =	shalt  }
0x5d: {  	_ =	shalt  }
0x5e: {  	_ =	shalt  }
0x5f: {  	_ =	shalt  }
0x60: {  	_ =	shalt  }
0x61: {  	_ =	shalt  }
0x62: {  	_ =	shalt  }
0x63: {  	_ =	shalt  }
0x64: {  	_ =	shalt  }
0x65: {  	_ =	shalt  }
0x66: {  	_ =	shalt  }
0x67: {  	_ =	shalt  }
0x68: {  	_ =	shalt  }
0x69: {  	_ =	shalt  }
0x6a: {  	_ =	shalt  }
0x6b: {  	_ =	shalt  }
0x6c: {  	_ =	shalt  }
0x6d: {  	_ =	shalt  }
0x6e: {  	_ =	shalt  }
0x6f: {  	_ =	shalt  }
0x70: {  	_ =	shalt  }
0x71: {  	_ =	shalt  }
0x72: {  	_ =	shalt  }
0x73: {  	_ =	shalt  }
0x74: {  	_ =	shalt  }
0x75: {  	_ =	shalt  }
0x76: {  	_ =	shalt  }
0x77: {  	_ =	shalt  }
0x78: {  	_ =	shalt  }
0x79: {  	_ =	shalt  }
0x7a: {  	_ =	shalt  }
0x7b: {  	_ =	shalt  }
0x7c: {  	_ =	shalt  }
0x7d: {  	_ =	shalt  }
0x7e: {  	_ =	shalt  }
0x7f: {  	_ =	shalt  }
0x80: {  	_ =	shalt  }
0x81: {  	_ =	shalt  }
0x82: {  	_ =	shalt  }
0x83: {  	_ =	shalt  }
0x84: {  	_ =	shalt  }
0x85: {  	_ =	shalt  }
0x86: {  	_ =	shalt  }
0x87: {  	_ =	shalt  }
.Lfunc_end0:
.L_simem_size_0:
called_computation_lowered:
.L_overlay_start_0:
0x88: {  	s2 =	sld [smem:$0x3FD9]  }
0x89: {  	s3 =	sld [smem:$0x3FFE];
	_ =	sdelay $0x1  }
0x8a: {  	s1 =	srdreg.scid  }
0x8b: {  	s0 =	sand.u32 $0x1, s1  }
0x8c: {  	s17 =	sshll.u32 s0, $0xA;
	s2 =	sadd.s32 s3, s2  }
0x8d: {  	s2 =	sadd.s32 s2, s17  }
0x8e: {  	[smem:$0x3FC5] =	sst s2  }
0x8f: {  	_ = 	snop  }
0x90: {  	s2 =	sld [smem:$0x3FD0];
	(tm) =	ssettm $0x1  }
0x91: {  	s18 =	sld [smem:$0x3FFB];
	_ =	sdelay $0x3  }
0x92: {  	_ =	strace s18  }
0x93: {  	s3 =	sld [smem:$0x3FFC];
	_ =	sdelay $0x3  }
0x94: {  	_ =	strace s3  }
0x95: {  	s3 =	sld [smem:$0x3FFD];
	_ =	sdelay $0x3  }
0x96: {  	_ =	strace s3  }
0x97: {  	_ =	strace $0x8FFFFFFF  }
0x98: {  	s19 =	sld [smem:$0x3FDB];
	_ =	sdelay $0x1  }
0x99: {  	s4 =	simm.s32 $_scs_section_size  }
0x9a: {  	s5 =	simm.s32 $_size__tile_overlayer_lowered;
	s6 =	simm.s32 $_tile_overlayer_lowered  }
0x9b: {  	s22 =	simm.s32 $0x1BFF;
	s21 =	sshll.u32 s6, $0x1;
	s3 =	sadd.s32 s4, s19  }
0x9c: {  	s7 =	simm.s32 $0x0;
	s20 =	sshll.u32 s5, $0x1;
	s5 =	sadd.s32 s21, s3  }
0x9d: {  	[timem:s7], [sflag:s22] =	dma.local [hbm:s5], s20  }
0x9e: {  	_ =	swait.ge [sflag:s22], s20  }
0x9f: {  	s4 =	ssub.s32 $0x0, s20;
	[sflag:s22] =	ssyncset.done $0x0  }
0xa0: {  	[sflag:s22] =	ssyncadd.s32 s4;
	_ =	sdelay $0x1  }
0xa1: {  	s23 =	simm.s32 $0x1B8B  }
0xa2: {  	_ =	swait.ge [sflag:s23], $0x1  }
0xa3: {  	[sflag:s23] =	ssyncset.done $0x0  }
0xa4: {  	s25 =	simm.s32 $0x1B8E;
	s24 =	sld [smem:$0x3FFE];
	[sflag:s23] =	ssyncadd.s32 $0xFFFFFFFF  }
0xa5: {  	s26 =	simm.s32 $execute0_lowered;
	[smem:$0x3FD2] =	sst s25  }
0xa6: {  	s5 =	sshll.u32 s26, $0x1;
	_ =	strace $0x80000046;
	[dreg:$0x1] =	wrdreg $0xFFFFFFFF  }
0xa7: {  	s28 =	simm.s32 $_size_execute0_lowered;
	s3 =	sadd.s32 s3, s5;
	[dreg:$0x0] =	wrdreg $0x0  }
0xa8: {  	s5 =	sshll.u32 s28, $0x1;
	[dreg:$0x2] =	wrdreg s3  }
0xa9: {  	[dreg:$0x3] =	wrdreg s5  }
0xaa: {  	[dreg:$0x4] =	wrdreg $0xC0  }
0xab: {  	_ =	task [dreg:s7], $0x5FFFF  }
0xac: {  	[dreg:$0x1] =	wrdreg $0xFFFFFFFF  }
0xad: {  	[dreg:$0x0] =	wrdreg $0x60  }
0xae: {  	[dreg:$0x2] =	wrdreg s24  }
0xaf: {  	[dreg:$0x3] =	wrdreg s2  }
0xb0: {  	[dreg:$0x4] =	wrdreg $0x9  }
0xb1: {  	_ =	task.clear_ibuf [dreg:s7], $0x5FFFF;
	_ =	strace $0x90000046  }
0xb2: {  	s29 =	simm.s32 $0x9;
	_ =	strace $0x80000048  }
0xb3: {  	_ =	swait.ge [sflag:s29], $0x1  }
0xb4: {  	[sflag:s29] =	ssyncadd.s32 $0xFFFFFFFF  }
0xb5: {  	_ =	strace $0x90000048  }
0xb6: {  	_ =	sfence  }
0xb7: {  	s30 =	sld [smem:$0x0];
	_ =	sdelay $0x2  }
0xb8: {  	s31 =	sshll.u32 s1, $0xD;
	s1 =	sshrl.u32 s1, $0x2  }
0xb9: {  	s3 =	sand.u32 $0x4000, s31;
	s1 =	sadd.s32 s1, s30  }
0xba: {  	s0 =	sor.u32 s3, s0;
	s1 =	sshll.u32 s1, $0x11  }
0xbb: {  	s0 =	sor.u32 s1, s0  }
0xbc: {  	s0 =	sadd.s32 $0x8F2B, s0  }
0xbd: {  	[sflag:s0] =	ssyncadd.remote.s32 $0x1  }
0xbe: {  	_ =	sfence.sel $0xFFFF  }
0xbf: {  	[dreg:$0x0] =	wrdreg $0xFFFFFFFF;
	(pc) =	sbr.abs _section_cstart, $3  }
0xc0: {  	[dreg:$0x1] =	wrdreg $0xFFFFFFFF  }
0xc1: {  	_ =	task.clear_ibuf [dreg:s7], $0x2FFFF;
	_ =	strace $0x9FFFFFFF  }
0xc2: {  	(tm) =	ssettm $0x7FFFFFFF  }
0xc3: {  	_ =	shalt  }
tec
execute0_lowered:
.L_overlay_start_1:
0x0: {  	(tag) =	ssettag $0x1  }
0x1: {  	s0 =	rddreg [dreg:$0x0]  }
0x2: {  	s2 =	rddreg [dreg:$0x1]  }
0x3: {  	s1 =	srdreg.scid;
	s4 =	stileid.u32;
	s3 =	simm.s32 $0x0  }
0x4: {  	s9 =	simm.s32 $0x80;
	s11 =	simm.s32 $0x9;
	s13 =	simm.s32 $0x9600  }
0x5: {  	s14 =	simm.s32 $0xB600;
	s16 =	simm.s32 $0xD600;
	s17 =	simm.s32 $0xF600  }
0x6: {  	s18 =	simm.s32 $0x1;
	s19 =	simm.s32 $0x11600;
	s20 =	simm.s32 $0x2  }
0x7: {  	s21 =	simm.s32 $0x6;
	s22 =	simm.s32 $0x13800;
	s23 =	simm.s32 $0x3  }
0x8: {  	s24 =	simm.s32 $0x7;
	s25 =	simm.s32 $0x15A00;
	s28 =	simm.s32 $0x8  }
0x9: {  	s29 =	simm.s32 $0x17C00;
	s1 =	sand.u32 $0x1, s1;
	s4 =	sshll.u32 s4, $0x1  }
0xa: {  	[smem:$0x7FF] =	sst s3;
	s5 =	sor.u32 s1, s4;
	s1 =	ssub.s32 $0x2, s1  }
0xb: {  	_ =	strace $0x80000047;
	s4 =	sshll.u32 s5, $0x4;
	s7 =	sshrl.u32 s1, $0x1  }
0xc: {  	v0 =	vlaneseq.u32;
	s6 =	sadd.s32 s4, s0;
	s4 =	sadd.s32 $0xF42C00, s0;
	s0 =	sadd.s32 $0x19800, s0  }
0xd: {  	v0 =	vmul.u32 $0x88, v0;
	s26 =	ssub.s32 s1, s7;
	[dreg:$0x3] =	wrdreg s0;
	s30 =	sadd.s32 $0x800, s6  }
0xe: {  	s31 =	simm.s32 $0x0;
	s0 =	smax.u32 s26, $0x1;
	[dreg:$0x4] =	wrdreg s30  }
0xf: {  	v1 =	vadd.s32 $0x880, v0;
	v2 =	vadd.s32 $0x1100, v0;
	v3 =	vadd.s32 $0x1980, v0;
	s7 =	sshll.u32 s5, $0xA;
	s26 =	simm.s32 $0x4;
	[dreg:$0x5] =	wrdreg s0  }
.LBB2_1:
0x10: {  	s0 =	rddreg [dreg:$0x4];
	s1 =	simm.s32 $0x1000  }
0x11: {  	[tilespmem:s3], [sflag:$0x9] =	stream.strided.gather [hbm4b:s0+s9], $0x6400, s1, s9, $0x38;
	[tilespmem:$0x19E00] =	vst v63  }
0x12: {  	_ =	swait.ge [sflag:s11], $0x6400  }
0x13: {  	[sflag:s11] =	ssyncset.done $0x0  }
0x14: {  	s15 =	simm.s32 $0x6400;
	s12 =	rddreg [dreg:$0x3];
	[sflag:s11] =	ssyncadd.s32 $0xFFFF9C00  }
0x15: {  	[tilespmem:s15], [sflag:$0x9] =	stream.linear.gather [hbm4b:s12+s3], $0x3200, $0x38;
	[tilespmem:$0x19E00] =	vst v63  }
0x16: {  	_ =	swait.ge [sflag:s11], $0x3200  }
0x17: {  	[sflag:s11] =	ssyncset.done $0x0  }
0x18: {  	[sflag:s11] =	ssyncadd.s32 $0xFFFFCE00  }
0x19: {  	[tilespmem:s13], [sflag:$0x1] =	stream.indirect.gather [hbm4b:s4+s9], $0x40, s3, s9, $0xb8;
	[tilespmem:$0x19E00] =	vst v63  }
0x1a: {  	_ = 	snop  }
0x1b: {  	[tilespmem:s14], [sflag:$0x2] =	stream.indirect.gather [hbm4b:s4+s9], $0x40, s9, s9, $0xb8;
	[tilespmem:$0x19E00] =	vst v63  }
0x1c: {  	s30 =	simm.s32 $0x100;
	s0 =	simm.s32 $0x0  }
0x1d: {  	[tilespmem:s16], [sflag:$0x3] =	stream.indirect.gather [hbm4b:s4+s9], $0x40, s30, s9, $0xb8;
	[tilespmem:$0x19E00] =	vst v63  }
.LBB2_2:
0x1e: {  	s1 =	sshllo.u32 s0, $0x2  }
0x1f: {  	s5 =	sshll.u32 s1, $0x7  }
0x20: {  	s5 =	sand.u32 $0x3FFFFF80, s5  }
0x21: {  	[tilespmem:s17], [sflag:$0x4] =	stream.indirect.gather [hbm4b:s4+s9], $0x40, s5, s9, $0xb8;
	[tilespmem:$0x19E00] =	vst v63  }
0x22: {  	_ =	swait.ge [sflag:s18], $0x2000  }
0x23: {  	p0 =	seq.s32 s0, $0x0;
	[sflag:s18] =	ssyncset.done $0x0  }
0x24: {  	s5 =	simm.s32 @!p0 $0x5;
	[sflag:s18] =	ssyncadd.s32 $0xFFFFE000  }
0x25: {  	_ =	swait.ge @!p0 [sflag:s5], $0x2000  }
0x26: {  	s6 =	sshll.u32 s0, $0x8;
	[sflag:s5] =	ssyncset.done @!p0 $0x0  }
0x27: {  	s10 =	sand.u32 $0x3FFFFF00, s6;
	[sflag:s5] =	ssyncadd.s32 @!p0 $0xFFFFE000  }
0x28: {  	s15 =	simm.s32 $0x0;
	s12 =	simm.s32 $0x9640;
	v4 =	vld [tilespmem:s10+$0x6400]  }
0x29: {  	v5 =	vmov s15;
	v7 =	vld [tilespmem:s12+$0xFFFFFFC0]  }
0x2a: {  	v8 =	vand.u32 $0x7E, v5  }
0x2b: {  	v9 =	vadd.s32 v0, v8;
	_ =	sdelay $0x2  }
0x2c: {  	v5 =	vld [tilespmem:s10+$0x6410];
	v10 =	vadd.f32 v7, v4  }
0x2d: {  	v6 =	vld [tilespmem:s10+$0x6420]  }
0x2e: {  	v7 =	vld [tilespmem:s10+$0x6430];
	[tilespmem:v9+s19+$0x0] =	vst.idx.msk $0xffff, v10  }
0x2f: {  	v9 =	vld [tilespmem:s12+$0xFFFFFFD0];
	_ =	sdelay $0x1  }
0x30: {  	v10 =	vadd.s32 v1, v8;
	_ =	sdelay $0x2  }
0x31: {  	v9 =	vadd.f32 v9, v5;
	_ =	sdelay $0x1  }
0x32: {  	[tilespmem:v10+s19+$0x0] =	vst.idx.msk $0xffff, v9  }
0x33: {  	v9 =	vld [tilespmem:s12+$0xFFFFFFE0];
	_ =	sdelay $0x1  }
0x34: {  	v10 =	vadd.s32 v2, v8;
	_ =	sdelay $0x2  }
0x35: {  	v9 =	vadd.f32 v9, v6;
	_ =	sdelay $0x1  }
0x36: {  	[tilespmem:v10+s19+$0x0] =	vst.idx.msk $0xffff, v9  }
0x37: {  	v9 =	vld [tilespmem:s12+$0xFFFFFFF0];
	_ =	sdelay $0x1  }
0x38: {  	v8 =	vadd.s32 v3, v8;
	_ =	sdelay $0x2  }
0x39: {  	v9 =	vadd.f32 v9, v7;
	_ =	sdelay $0x1  }
0x3a: {  	s30 =	simm.s32 $0x1;
	[tilespmem:v8+s19+$0x0] =	vst.idx.msk $0xffff, v9  }
0x3b: {  	v8 =	vmov s30;
	v9 =	vld [tilespmem:s12+$0x0]  }
0x3c: {  	v8 =	vand.u32 $0x7F, v8  }
0x3d: {  	v10 =	vadd.s32 v0, v8;
	_ =	sdelay $0x2  }
0x3e: {  	v9 =	vadd.f32 v9, v4;
	_ =	sdelay $0x1  }
0x3f: {  	[tilespmem:v10+s19+$0x0] =	vst.idx.msk $0xffff, v9  }
0x40: {  	v9 =	vld [tilespmem:s12+$0x10];
	_ =	sdelay $0x1  }
0x41: {  	v10 =	vadd.s32 v1, v8;
	_ =	sdelay $0x2  }
0x42: {  	v9 =	vadd.f32 v9, v5;
	_ =	sdelay $0x1  }
0x43: {  	[tilespmem:v10+s19+$0x0] =	vst.idx.msk $0xffff, v9  }
0x44: {  	v9 =	vld [tilespmem:s12+$0x20];
	_ =	sdelay $0x1  }
0x45: {  	v10 =	vadd.s32 v2, v8;
	_ =	sdelay $0x2  }
0x46: {  	v9 =	vadd.f32 v9, v6;
	_ =	sdelay $0x1  }
0x47: {  	[tilespmem:v10+s19+$0x0] =	vst.idx.msk $0xffff, v9  }
0x48: {  	v9 =	vld [tilespmem:s12+$0x30];
	_ =	sdelay $0x1  }
0x49: {  	v8 =	vadd.s32 v3, v8;
	_ =	sdelay $0x2  }
0x4a: {  	s15 =	simm.s32 $0x2;
	s10 =	sshll.u32 s0, $0x2;
	v9 =	vadd.f32 v9, v7  }
.LBB2_3:
0x4b: {  	p1 =	sne.s32 s15, $0x7E  }
0x4c: {  	s12 =	sadd.s32 $0x80, s12;
	s5 =	smov.u32 s15;
	s15 =	sadd.s32 $0x2, s15;
	[tilespmem:v8+s19+$0x0] =	vst.idx.msk $0xffff, v9  }
0x4d: {  	v8 =	vmov s5;
	v9 =	vld [tilespmem:s12+$0xFFFFFFC0]  }
0x4e: {  	v8 =	vand.u32 $0x7E, v8  }
0x4f: {  	v10 =	vadd.s32 v0, v8;
	_ =	sdelay $0x2  }
0x50: {  	v9 =	vadd.f32 v9, v4;
	_ =	sdelay $0x1  }
0x51: {  	[tilespmem:v10+s19+$0x0] =	vst.idx.msk $0xffff, v9  }
0x52: {  	v9 =	vld [tilespmem:s12+$0xFFFFFFD0];
	_ =	sdelay $0x1  }
0x53: {  	v10 =	vadd.s32 v1, v8;
	_ =	sdelay $0x2  }
0x54: {  	v9 =	vadd.f32 v9, v5;
	_ =	sdelay $0x1  }
0x55: {  	[tilespmem:v10+s19+$0x0] =	vst.idx.msk $0xffff, v9  }
0x56: {  	v9 =	vld [tilespmem:s12+$0xFFFFFFE0];
	_ =	sdelay $0x1  }
0x57: {  	v10 =	vadd.s32 v2, v8;
	_ =	sdelay $0x2  }
0x58: {  	v9 =	vadd.f32 v9, v6;
	_ =	sdelay $0x1  }
0x59: {  	[tilespmem:v10+s19+$0x0] =	vst.idx.msk $0xffff, v9  }
0x5a: {  	v9 =	vld [tilespmem:s12+$0xFFFFFFF0];
	_ =	sdelay $0x1  }
0x5b: {  	v8 =	vadd.s32 v3, v8;
	_ =	sdelay $0x2  }
0x5c: {  	v9 =	vadd.f32 v9, v7;
	_ =	sdelay $0x1  }
0x5d: {  	s5 =	sadd.s32 $0x1, s5;
	[tilespmem:v8+s19+$0x0] =	vst.idx.msk $0xffff, v9  }
0x5e: {  	v8 =	vmov s5;
	v9 =	vld [tilespmem:s12+$0x0]  }
0x5f: {  	v8 =	vand.u32 $0x7F, v8  }
0x60: {  	v10 =	vadd.s32 v0, v8;
	_ =	sdelay $0x2  }
0x61: {  	v9 =	vadd.f32 v9, v4;
	_ =	sdelay $0x1  }
0x62: {  	[tilespmem:v10+s19+$0x0] =	vst.idx.msk $0xffff, v9  }
0x63: {  	v9 =	vld [tilespmem:s12+$0x10];
	_ =	sdelay $0x1  }
0x64: {  	v10 =	vadd.s32 v1, v8;
	_ =	sdelay $0x2  }
0x65: {  	v9 =	vadd.f32 v9, v5;
	_ =	sdelay $0x1  }
0x66: {  	[tilespmem:v10+s19+$0x0] =	vst.idx.msk $0xffff, v9  }
0x67: {  	v9 =	vld [tilespmem:s12+$0x20];
	_ =	sdelay $0x1  }
0x68: {  	v10 =	vadd.s32 v2, v8;
	_ =	sdelay $0x2  }
0x69: {  	v9 =	vadd.f32 v9, v6;
	_ =	sdelay $0x1  }
0x6a: {  	[tilespmem:v10+s19+$0x0] =	vst.idx.msk $0xffff, v9  }
0x6b: {  	v9 =	vld [tilespmem:s12+$0x30]  }
.Ltmp0:
0x6c: {  	(pc) =	sbr.rel @p1 .LBB2_3-.Ltmp0, $2  }
0x6d: {  	v8 =	vadd.s32 v3, v8;
	_ =	sdelay $0x2  }
0x6e: {  	v9 =	vadd.f32 v9, v7  }
0x6f: {  	_ = 	snop  }
0x70: {  	s5 =	sshll.u32 s0, $0x14  }
0x71: {  	s5 =	sor.u32 s7, s5  }
0x72: {  	s5 =	sshrl.u32 s5, $0x3  }
0x73: {  	s6 =	simm.s32 $0x11600;
	[tilespmem:v8+s19+$0x0] =	vst.idx.msk $0xffff, v9;
	s12 =	sadd.s32 s2, s5  }
0x74: {  	[hbm4b:s12+s3] =	stream.linear.scatter [tilespmem:s6], [sflag:$0x5], $0x80, $0x38;
	[tilespmem:$0x19E00] =	vst v63  }
0x75: {  	s8 =	simm.s32 $0x11688;
	s6 =	sadd.s32 $0x10, s12  }
0x76: {  	[hbm4b:s6+s3] =	stream.linear.scatter [tilespmem:s8], [sflag:$0x5], $0x80, $0x38;
	[tilespmem:$0x19E00] =	vst v63  }
0x77: {  	s15 =	simm.s32 $0x11710;
	s30 =	sadd.s32 $0x20, s12  }
0x78: {  	[hbm4b:s30+s3] =	stream.linear.scatter [tilespmem:s15], [sflag:$0x5], $0x80, $0x38;
	[tilespmem:$0x19E00] =	vst v63  }
0x79: {  	s6 =	simm.s32 $0x11798;
	s8 =	sadd.s32 $0x30, s12  }
0x7a: {  	[hbm4b:s8+s3] =	stream.linear.scatter [tilespmem:s6], [sflag:$0x5], $0x80, $0x38;
	[tilespmem:$0x19E00] =	vst v63  }
0x7b: {  	s15 =	simm.s32 $0x11820;
	s30 =	sadd.s32 $0x40, s12  }
0x7c: {  	[hbm4b:s30+s3] =	stream.linear.scatter [tilespmem:s15], [sflag:$0x5], $0x80, $0x38;
	[tilespmem:$0x19E00] =	vst v63  }
0x7d: {  	s5 =	simm.s32 $0x440;
	s6 =	simm.s32 $0x118A8;
	s8 =	sadd.s32 $0x50, s12  }
0x7e: {  	[hbm4b:s8+s3] =	stream.linear.scatter [tilespmem:s6], [sflag:$0x5], $0x80, $0x38;
	[tilespmem:$0x19E00] =	vst v63  }
0x7f: {  	s15 =	simm.s32 $0x11930;
	s30 =	sadd.s32 $0x60, s12;
	s6 =	simm.s32 $0x119B8  }
0x80: {  	[hbm4b:s30+s3] =	stream.linear.scatter [tilespmem:s15], [sflag:$0x5], $0x80, $0x38;
	[tilespmem:$0x19E00] =	vst v63  }
0x81: {  	s8 =	sadd.s32 $0x70, s12;
	s12 =	sadd.s32 $0x1000, s12;
	s15 =	simm.s32 $0x2200  }
.LBB2_5:
0x82: {  	[hbm4b:s8+s3] =	stream.linear.scatter [tilespmem:s6], [sflag:$0x5], $0x80, $0x38;
	[tilespmem:$0x19E00] =	vst v63  }
0x83: {  	s6 =	smov.u32 s5;
	s5 =	smov.u32 s15  }
0x84: {  	s30 =	sadd.s32 $0x1100, s15;
	s5 =	sshra.s32 s5, $0x2;
	s8 =	sadd.s32 $0x11600, s6  }
0x85: {  	[hbm4b:s12+s3] =	stream.linear.scatter [tilespmem:s8], [sflag:$0x5], $0x80, $0x38;
	[tilespmem:$0x19E00] =	vst v63  }
0x86: {  	p1 =	sne.s32 s15, $0x7700;
	s15 =	sadd.s32 $0x10, s12;
	s8 =	sadd.s32 $0x11688, s6  }
0x87: {  	[hbm4b:s15+s3] =	stream.linear.scatter [tilespmem:s8], [sflag:$0x5], $0x80, $0x38;
	[tilespmem:$0x19E00] =	vst v63  }
0x88: {  	s8 =	sadd.s32 $0x11710, s6;
	s15 =	sadd.s32 $0x20, s12  }
0x89: {  	[hbm4b:s15+s3] =	stream.linear.scatter [tilespmem:s8], [sflag:$0x5], $0x80, $0x38;
	[tilespmem:$0x19E00] =	vst v63  }
0x8a: {  	s8 =	sadd.s32 $0x11798, s6;
	s15 =	sadd.s32 $0x30, s12  }
0x8b: {  	[hbm4b:s15+s3] =	stream.linear.scatter [tilespmem:s8], [sflag:$0x5], $0x80, $0x38;
	[tilespmem:$0x19E00] =	vst v63  }
0x8c: {  	s8 =	sadd.s32 $0x11820, s6;
	s15 =	sadd.s32 $0x40, s12  }
0x8d: {  	[hbm4b:s15+s3] =	stream.linear.scatter [tilespmem:s8], [sflag:$0x5], $0x80, $0x38;
	[tilespmem:$0x19E00] =	vst v63  }
.Ltmp1:
0x8e: {  	s8 =	sadd.s32 $0x118A8, s6;
	s15 =	sadd.s32 $0x50, s12;
	(pc) =	sbr.rel @p1 .LBB2_5-.Ltmp1, $4  }
0x8f: {  	[hbm4b:s15+s3] =	stream.linear.scatter [tilespmem:s8], [sflag:$0x5], $0x80, $0x38;
	[tilespmem:$0x19E00] =	vst v63  }
0x90: {  	s8 =	sadd.s32 $0x11930, s6;
	s15 =	sadd.s32 $0x60, s12;
	s6 =	sadd.s32 $0x119B8, s6  }
0x91: {  	[hbm4b:s15+s3] =	stream.linear.scatter [tilespmem:s8], [sflag:$0x5], $0x80, $0x38;
	[tilespmem:$0x19E00] =	vst v63  }
0x92: {  	s8 =	sadd.s32 $0x70, s12;
	s12 =	sadd.s32 $0x1000, s12;
	s15 =	smov.u32 s30  }
0x93: {  	[hbm4b:s8+s3] =	stream.linear.scatter [tilespmem:s6], [sflag:$0x5], $0x80, $0x38;
	[tilespmem:$0x19E00] =	vst v63  }
0x94: {  	s8 =	sadd.s32 $0x11600, s5  }
0x95: {  	[hbm4b:s12+s3] =	stream.linear.scatter [tilespmem:s8], [sflag:$0x5], $0x80, $0x38;
	[tilespmem:$0x19E00] =	vst v63  }
0x96: {  	s15 =	sadd.s32 $0x11688, s5;
	s30 =	sadd.s32 $0x10, s12  }
0x97: {  	[hbm4b:s30+s3] =	stream.linear.scatter [tilespmem:s15], [sflag:$0x5], $0x80, $0x38;
	[tilespmem:$0x19E00] =	vst v63  }
0x98: {  	s15 =	sadd.s32 $0x11710, s5;
	s30 =	sadd.s32 $0x20, s12  }
0x99: {  	[hbm4b:s30+s3] =	stream.linear.scatter [tilespmem:s15], [sflag:$0x5], $0x80, $0x38;
	[tilespmem:$0x19E00] =	vst v63  }
0x9a: {  	s15 =	sadd.s32 $0x11798, s5;
	s30 =	sadd.s32 $0x30, s12  }
0x9b: {  	[hbm4b:s30+s3] =	stream.linear.scatter [tilespmem:s15], [sflag:$0x5], $0x80, $0x38;
	[tilespmem:$0x19E00] =	vst v63  }
0x9c: {  	s15 =	sadd.s32 $0x11820, s5;
	s30 =	sadd.s32 $0x40, s12  }
0x9d: {  	[hbm4b:s30+s3] =	stream.linear.scatter [tilespmem:s15], [sflag:$0x5], $0x80, $0x38;
	[tilespmem:$0x19E00] =	vst v63  }
0x9e: {  	p1 =	sne.s32 s0, $0x31;
	s15 =	sadd.s32 $0x118A8, s5;
	s30 =	sadd.s32 $0x50, s12  }
0x9f: {  	[hbm4b:s30+s3] =	stream.linear.scatter [tilespmem:s15], [sflag:$0x5], $0x80, $0x38;
	[tilespmem:$0x19E00] =	vst v63  }
.Ltmp2:
0xa0: {  	_ = 	snop;
	(pc) =	sbr.rel @p1 .LBB2_8-.Ltmp2, $4  }
0xa1: {  	s15 =	sadd.s32 $0x11930, s5;
	s30 =	sadd.s32 $0x60, s12  }
0xa2: {  	[hbm4b:s30+s3] =	stream.linear.scatter [tilespmem:s15], [sflag:$0x5], $0x80, $0x38;
	[tilespmem:$0x19E00] =	vst v63  }
0xa3: {  	s15 =	sadd.s32 $0x119B8, s5;
	s30 =	sadd.s32 $0x70, s12  }
0xa4: {  	[hbm4b:s30+s3] =	stream.linear.scatter [tilespmem:s15], [sflag:$0x5], $0x80, $0x38;
	[tilespmem:$0x19E00] =	vst v63  }
.Ltmp3:
0xa5: {  	(pc) =	sbr.rel .LBB2_9-.Ltmp3, $4  }
0xa6: {  	_ = 	snop  }
0xa7: {  	_ =	swait.ge [sflag:s20], $0x2000  }
0xa8: {  	[sflag:s20] =	ssyncset.done $0x0  }
0xa9: {  	[sflag:s20] =	ssyncadd.s32 $0xFFFFE000  }
.LBB2_8:
0xaa: {  	s5 =	sshll.u32 s0, $0x9  }
0xab: {  	s5 =	sand.u32 $0x3FFFFE00, s5  }
.Ltmp4:
0xac: {  	s5 =	sadd.s32 $0x200, s5;
	(pc) =	sbr.rel @p0 .LBB2_10-.Ltmp4, $4  }
0xad: {  	[tilespmem:s13], [sflag:$0x1] =	stream.indirect.gather [hbm4b:s4+s9], $0x40, s5, s9, $0xb8;
	[tilespmem:$0x19E00] =	vst v63  }
0xae: {  	_ =	swait.ge [sflag:s20], $0x2000  }
0xaf: {  	[sflag:s20] =	ssyncset.done $0x0  }
0xb0: {  	[sflag:s20] =	ssyncadd.s32 $0xFFFFE000  }
.LBB2_9:
0xb1: {  	_ =	swait.ge [sflag:s21], $0x2000  }
0xb2: {  	[sflag:s21] =	ssyncset.done $0x0  }
0xb3: {  	[sflag:s21] =	ssyncadd.s32 $0xFFFFE000  }
.LBB2_10:
0xb4: {  	s12 =	sor.u32 $0x1, s10  }
0xb5: {  	s15 =	simm.s32 $0xB640;
	s5 =	sshll.u32 s12, $0x6  }
0xb6: {  	s6 =	simm.s32 $0x0;
	v7 =	vld [tilespmem:s15+$0xFFFFFFC0];
	s5 =	sand.u32 $0x3FFFFFC0, s5  }
0xb7: {  	v5 =	vmov s6;
	v4 =	vld [tilespmem:s5+$0x6400]  }
0xb8: {  	v8 =	vand.u32 $0x7E, v5  }
0xb9: {  	v9 =	vadd.s32 v0, v8;
	_ =	sdelay $0x2  }
0xba: {  	v5 =	vld [tilespmem:s5+$0x6410];
	v10 =	vadd.f32 v7, v4  }
0xbb: {  	v6 =	vld [tilespmem:s5+$0x6420]  }
0xbc: {  	v7 =	vld [tilespmem:s5+$0x6430];
	[tilespmem:v9+s22+$0x0] =	vst.idx.msk $0xffff, v10  }
0xbd: {  	v9 =	vld [tilespmem:s15+$0xFFFFFFD0];
	_ =	sdelay $0x1  }
0xbe: {  	v10 =	vadd.s32 v1, v8;
	_ =	sdelay $0x2  }
0xbf: {  	v9 =	vadd.f32 v9, v5;
	_ =	sdelay $0x1  }
0xc0: {  	[tilespmem:v10+s22+$0x0] =	vst.idx.msk $0xffff, v9  }
0xc1: {  	v9 =	vld [tilespmem:s15+$0xFFFFFFE0];
	_ =	sdelay $0x1  }
0xc2: {  	v10 =	vadd.s32 v2, v8;
	_ =	sdelay $0x2  }
0xc3: {  	v9 =	vadd.f32 v9, v6;
	_ =	sdelay $0x1  }
0xc4: {  	[tilespmem:v10+s22+$0x0] =	vst.idx.msk $0xffff, v9  }
0xc5: {  	v9 =	vld [tilespmem:s15+$0xFFFFFFF0];
	_ =	sdelay $0x1  }
0xc6: {  	v8 =	vadd.s32 v3, v8;
	_ =	sdelay $0x2  }
0xc7: {  	v9 =	vadd.f32 v9, v7;
	_ =	sdelay $0x1  }
0xc8: {  	s30 =	simm.s32 $0x1;
	[tilespmem:v8+s22+$0x0] =	vst.idx.msk $0xffff, v9  }
0xc9: {  	v8 =	vmov s30;
	v9 =	vld [tilespmem:s15+$0x0]  }
0xca: {  	v8 =	vand.u32 $0x7F, v8  }
0xcb: {  	v10 =	vadd.s32 v0, v8;
	_ =	sdelay $0x2  }
0xcc: {  	v9 =	vadd.f32 v9, v4;
	_ =	sdelay $0x1  }
0xcd: {  	[tilespmem:v10+s22+$0x0] =	vst.idx.msk $0xffff, v9  }
0xce: {  	v9 =	vld [tilespmem:s15+$0x10];
	_ =	sdelay $0x1  }
0xcf: {  	v10 =	vadd.s32 v1, v8;
	_ =	sdelay $0x2  }
0xd0: {  	v9 =	vadd.f32 v9, v5;
	_ =	sdelay $0x1  }
0xd1: {  	[tilespmem:v10+s22+$0x0] =	vst.idx.msk $0xffff, v9  }
0xd2: {  	v9 =	vld [tilespmem:s15+$0x20];
	_ =	sdelay $0x1  }
0xd3: {  	v10 =	vadd.s32 v2, v8;
	_ =	sdelay $0x2  }
0xd4: {  	v9 =	vadd.f32 v9, v6;
	_ =	sdelay $0x1  }
0xd5: {  	[tilespmem:v10+s22+$0x0] =	vst.idx.msk $0xffff, v9  }
0xd6: {  	v9 =	vld [tilespmem:s15+$0x30];
	_ =	sdelay $0x1  }
0xd7: {  	v8 =	vadd.s32 v3, v8;
	_ =	sdelay $0x2  }
0xd8: {  	s5 =	simm.s32 $0x2;
	v9 =	vadd.f32 v9, v7  }
.LBB2_11:
0xd9: {  	p2 =	sne.s32 s5, $0x7E  }
0xda: {  	s15 =	sadd.s32 $0x80, s15;
	s6 =	smov.u32 s5;
	s5 =	sadd.s32 $0x2, s5;
	[tilespmem:v8+s22+$0x0] =	vst.idx.msk $0xffff, v9  }
0xdb: {  	v8 =	vmov s6;
	v9 =	vld [tilespmem:s15+$0xFFFFFFC0]  }
0xdc: {  	v8 =	vand.u32 $0x7E, v8  }
0xdd: {  	v10 =	vadd.s32 v0, v8;
	_ =	sdelay $0x2  }
0xde: {  	v9 =	vadd.f32 v9, v4;
	_ =	sdelay $0x1  }
0xdf: {  	[tilespmem:v10+s22+$0x0] =	vst.idx.msk $0xffff, v9  }
0xe0: {  	v9 =	vld [tilespmem:s15+$0xFFFFFFD0];
	_ =	sdelay $0x1  }
0xe1: {  	v10 =	vadd.s32 v1, v8;
	_ =	sdelay $0x2  }
0xe2: {  	v9 =	vadd.f32 v9, v5;
	_ =	sdelay $0x1  }
0xe3: {  	[tilespmem:v10+s22+$0x0] =	vst.idx.msk $0xffff, v9  }
0xe4: {  	v9 =	vld [tilespmem:s15+$0xFFFFFFE0];
	_ =	sdelay $0x1  }
0xe5: {  	v10 =	vadd.s32 v2, v8;
	_ =	sdelay $0x2  }
0xe6: {  	v9 =	vadd.f32 v9, v6;
	_ =	sdelay $0x1  }
0xe7: {  	[tilespmem:v10+s22+$0x0] =	vst.idx.msk $0xffff, v9  }
0xe8: {  	v9 =	vld [tilespmem:s15+$0xFFFFFFF0];
	_ =	sdelay $0x1  }
0xe9: {  	v8 =	vadd.s32 v3, v8;
	_ =	sdelay $0x2  }
0xea: {  	v9 =	vadd.f32 v9, v7;
	_ =	sdelay $0x1  }
0xeb: {  	s6 =	sadd.s32 $0x1, s6;
	[tilespmem:v8+s22+$0x0] =	vst.idx.msk $0xffff, v9  }
0xec: {  	v8 =	vmov s6;
	v9 =	vld [tilespmem:s15+$0x0]  }
0xed: {  	v8 =	vand.u32 $0x7F, v8  }
0xee: {  	v10 =	vadd.s32 v0, v8;
	_ =	sdelay $0x2  }
0xef: {  	v9 =	vadd.f32 v9, v4;
	_ =	sdelay $0x1  }
0xf0: {  	[tilespmem:v10+s22+$0x0] =	vst.idx.msk $0xffff, v9  }
0xf1: {  	v9 =	vld [tilespmem:s15+$0x10];
	_ =	sdelay $0x1  }
0xf2: {  	v10 =	vadd.s32 v1, v8;
	_ =	sdelay $0x2  }
0xf3: {  	v9 =	vadd.f32 v9, v5;
	_ =	sdelay $0x1  }
0xf4: {  	[tilespmem:v10+s22+$0x0] =	vst.idx.msk $0xffff, v9  }
0xf5: {  	v9 =	vld [tilespmem:s15+$0x20];
	_ =	sdelay $0x1  }
0xf6: {  	v10 =	vadd.s32 v2, v8;
	_ =	sdelay $0x2  }
0xf7: {  	v9 =	vadd.f32 v9, v6;
	_ =	sdelay $0x1  }
0xf8: {  	[tilespmem:v10+s22+$0x0] =	vst.idx.msk $0xffff, v9  }
0xf9: {  	v9 =	vld [tilespmem:s15+$0x30]  }
.Ltmp5:
0xfa: {  	(pc) =	sbr.rel @p2 .LBB2_11-.Ltmp5, $2  }
0xfb: {  	v8 =	vadd.s32 v3, v8;
	_ =	sdelay $0x2  }
0xfc: {  	v9 =	vadd.f32 v9, v7  }
0xfd: {  	_ = 	snop  }
0xfe: {  	s5 =	sshll.u32 s12, $0x12  }
0xff: {  	s5 =	sor.u32 s7, s5  }
0x100: {  	s5 =	sshrl.u32 s5, $0x3  }
0x101: {  	s6 =	simm.s32 $0x13800;
	[tilespmem:v8+s22+$0x0] =	vst.idx.msk $0xffff, v9;
	s12 =	sadd.s32 s2, s5  }
0x102: {  	[hbm4b:s12+s3] =	stream.linear.scatter [tilespmem:s6], [sflag:$0x6], $0x80, $0x38;
	[tilespmem:$0x19E00] =	vst v63  }
0x103: {  	s8 =	simm.s32 $0x13888;
	s6 =	sadd.s32 $0x10, s12  }
0x104: {  	[hbm4b:s6+s3] =	stream.linear.scatter [tilespmem:s8], [sflag:$0x6], $0x80, $0x38;
	[tilespmem:$0x19E00] =	vst v63  }
0x105: {  	s15 =	simm.s32 $0x13910;
	s30 =	sadd.s32 $0x20, s12  }
0x106: {  	[hbm4b:s30+s3] =	stream.linear.scatter [tilespmem:s15], [sflag:$0x6], $0x80, $0x38;
	[tilespmem:$0x19E00] =	vst v63  }
0x107: {  	s6 =	simm.s32 $0x13998;
	s8 =	sadd.s32 $0x30, s12  }
0x108: {  	[hbm4b:s8+s3] =	stream.linear.scatter [tilespmem:s6], [sflag:$0x6], $0x80, $0x38;
	[tilespmem:$0x19E00] =	vst v63  }
0x109: {  	s15 =	simm.s32 $0x13A20;
	s30 =	sadd.s32 $0x40, s12  }
0x10a: {  	[hbm4b:s30+s3] =	stream.linear.scatter [tilespmem:s15], [sflag:$0x6], $0x80, $0x38;
	[tilespmem:$0x19E00] =	vst v63  }
0x10b: {  	s5 =	simm.s32 $0x440;
	s6 =	simm.s32 $0x13AA8;
	s8 =	sadd.s32 $0x50, s12  }
0x10c: {  	[hbm4b:s8+s3] =	stream.linear.scatter [tilespmem:s6], [sflag:$0x6], $0x80, $0x38;
	[tilespmem:$0x19E00] =	vst v63  }
0x10d: {  	s15 =	simm.s32 $0x13B30;
	s30 =	sadd.s32 $0x60, s12;
	s6 =	simm.s32 $0x13BB8  }
0x10e: {  	[hbm4b:s30+s3] =	stream.linear.scatter [tilespmem:s15], [sflag:$0x6], $0x80, $0x38;
	[tilespmem:$0x19E00] =	vst v63  }
0x10f: {  	s8 =	sadd.s32 $0x70, s12;
	s12 =	sadd.s32 $0x1000, s12;
	s15 =	simm.s32 $0x2200  }
.LBB2_13:
0x110: {  	[hbm4b:s8+s3] =	stream.linear.scatter [tilespmem:s6], [sflag:$0x6], $0x80, $0x38;
	[tilespmem:$0x19E00] =	vst v63  }
0x111: {  	s6 =	smov.u32 s5;
	s5 =	smov.u32 s15  }
0x112: {  	s30 =	sadd.s32 $0x1100, s15;
	s5 =	sshra.s32 s5, $0x2;
	s8 =	sadd.s32 $0x13800, s6  }
0x113: {  	[hbm4b:s12+s3] =	stream.linear.scatter [tilespmem:s8], [sflag:$0x6], $0x80, $0x38;
	[tilespmem:$0x19E00] =	vst v63  }
0x114: {  	p2 =	sne.s32 s15, $0x7700;
	s15 =	sadd.s32 $0x10, s12;
	s8 =	sadd.s32 $0x13888, s6  }
0x115: {  	[hbm4b:s15+s3] =	stream.linear.scatter [tilespmem:s8], [sflag:$0x6], $0x80, $0x38;
	[tilespmem:$0x19E00] =	vst v63  }
0x116: {  	s8 =	sadd.s32 $0x13910, s6;
	s15 =	sadd.s32 $0x20, s12  }
0x117: {  	[hbm4b:s15+s3] =	stream.linear.scatter [tilespmem:s8], [sflag:$0x6], $0x80, $0x38;
	[tilespmem:$0x19E00] =	vst v63  }
0x118: {  	s8 =	sadd.s32 $0x13998, s6;
	s15 =	sadd.s32 $0x30, s12  }
0x119: {  	[hbm4b:s15+s3] =	stream.linear.scatter [tilespmem:s8], [sflag:$0x6], $0x80, $0x38;
	[tilespmem:$0x19E00] =	vst v63  }
0x11a: {  	s8 =	sadd.s32 $0x13A20, s6;
	s15 =	sadd.s32 $0x40, s12  }
0x11b: {  	[hbm4b:s15+s3] =	stream.linear.scatter [tilespmem:s8], [sflag:$0x6], $0x80, $0x38;
	[tilespmem:$0x19E00] =	vst v63  }
.Ltmp6:
0x11c: {  	s8 =	sadd.s32 $0x13AA8, s6;
	s15 =	sadd.s32 $0x50, s12;
	(pc) =	sbr.rel @p2 .LBB2_13-.Ltmp6, $4  }
0x11d: {  	[hbm4b:s15+s3] =	stream.linear.scatter [tilespmem:s8], [sflag:$0x6], $0x80, $0x38;
	[tilespmem:$0x19E00] =	vst v63  }
0x11e: {  	s8 =	sadd.s32 $0x13B30, s6;
	s15 =	sadd.s32 $0x60, s12;
	s6 =	sadd.s32 $0x13BB8, s6  }
0x11f: {  	[hbm4b:s15+s3] =	stream.linear.scatter [tilespmem:s8], [sflag:$0x6], $0x80, $0x38;
	[tilespmem:$0x19E00] =	vst v63  }
0x120: {  	s8 =	sadd.s32 $0x70, s12;
	s12 =	sadd.s32 $0x1000, s12;
	s15 =	smov.u32 s30  }
0x121: {  	[hbm4b:s8+s3] =	stream.linear.scatter [tilespmem:s6], [sflag:$0x6], $0x80, $0x38;
	[tilespmem:$0x19E00] =	vst v63  }
0x122: {  	s8 =	sadd.s32 $0x13800, s5  }
0x123: {  	[hbm4b:s12+s3] =	stream.linear.scatter [tilespmem:s8], [sflag:$0x6], $0x80, $0x38;
	[tilespmem:$0x19E00] =	vst v63  }
0x124: {  	s15 =	sadd.s32 $0x13888, s5;
	s30 =	sadd.s32 $0x10, s12  }
0x125: {  	[hbm4b:s30+s3] =	stream.linear.scatter [tilespmem:s15], [sflag:$0x6], $0x80, $0x38;
	[tilespmem:$0x19E00] =	vst v63  }
0x126: {  	s15 =	sadd.s32 $0x13910, s5;
	s30 =	sadd.s32 $0x20, s12  }
0x127: {  	[hbm4b:s30+s3] =	stream.linear.scatter [tilespmem:s15], [sflag:$0x6], $0x80, $0x38;
	[tilespmem:$0x19E00] =	vst v63  }
0x128: {  	s15 =	sadd.s32 $0x13998, s5;
	s30 =	sadd.s32 $0x30, s12  }
0x129: {  	[hbm4b:s30+s3] =	stream.linear.scatter [tilespmem:s15], [sflag:$0x6], $0x80, $0x38;
	[tilespmem:$0x19E00] =	vst v63  }
0x12a: {  	s15 =	sadd.s32 $0x13A20, s5;
	s30 =	sadd.s32 $0x40, s12  }
0x12b: {  	[hbm4b:s30+s3] =	stream.linear.scatter [tilespmem:s15], [sflag:$0x6], $0x80, $0x38;
	[tilespmem:$0x19E00] =	vst v63  }
0x12c: {  	s15 =	sadd.s32 $0x13AA8, s5;
	s30 =	sadd.s32 $0x50, s12  }
0x12d: {  	[hbm4b:s30+s3] =	stream.linear.scatter [tilespmem:s15], [sflag:$0x6], $0x80, $0x38;
	[tilespmem:$0x19E00] =	vst v63  }
.Ltmp7:
0x12e: {  	_ = 	snop;
	(pc) =	sbr.rel @p1 .LBB2_16-.Ltmp7, $4  }
0x12f: {  	s15 =	sadd.s32 $0x13B30, s5;
	s30 =	sadd.s32 $0x60, s12  }
0x130: {  	[hbm4b:s30+s3] =	stream.linear.scatter [tilespmem:s15], [sflag:$0x6], $0x80, $0x38;
	[tilespmem:$0x19E00] =	vst v63  }
0x131: {  	s15 =	sadd.s32 $0x13BB8, s5;
	s30 =	sadd.s32 $0x70, s12  }
0x132: {  	[hbm4b:s30+s3] =	stream.linear.scatter [tilespmem:s15], [sflag:$0x6], $0x80, $0x38;
	[tilespmem:$0x19E00] =	vst v63  }
.Ltmp8:
0x133: {  	(pc) =	sbr.rel .LBB2_17-.Ltmp8, $4  }
0x134: {  	_ = 	snop  }
0x135: {  	_ =	swait.ge [sflag:s23], $0x2000  }
0x136: {  	[sflag:s23] =	ssyncset.done $0x0  }
0x137: {  	[sflag:s23] =	ssyncadd.s32 $0xFFFFE000  }
.LBB2_16:
0x138: {  	s5 =	sshll.u32 s0, $0x9  }
0x139: {  	s5 =	sand.u32 $0x3FFFFE00, s5  }
.Ltmp9:
0x13a: {  	s5 =	sadd.s32 $0x280, s5;
	(pc) =	sbr.rel @p0 .LBB2_18-.Ltmp9, $4  }
0x13b: {  	[tilespmem:s14], [sflag:$0x2] =	stream.indirect.gather [hbm4b:s4+s9], $0x40, s5, s9, $0xb8;
	[tilespmem:$0x19E00] =	vst v63  }
0x13c: {  	_ =	swait.ge [sflag:s23], $0x2000  }
0x13d: {  	[sflag:s23] =	ssyncset.done $0x0  }
0x13e: {  	[sflag:s23] =	ssyncadd.s32 $0xFFFFE000  }
.LBB2_17:
0x13f: {  	_ =	swait.ge [sflag:s24], $0x2000  }
0x140: {  	[sflag:s24] =	ssyncset.done $0x0  }
0x141: {  	[sflag:s24] =	ssyncadd.s32 $0xFFFFE000  }
.LBB2_18:
0x142: {  	s10 =	sor.u32 $0x2, s10  }
0x143: {  	s12 =	simm.s32 $0xD640;
	s5 =	sshll.u32 s10, $0x6  }
0x144: {  	s6 =	simm.s32 $0x0;
	v7 =	vld [tilespmem:s12+$0xFFFFFFC0];
	s5 =	sand.u32 $0x3FFFFFC0, s5  }
0x145: {  	v5 =	vmov s6;
	v4 =	vld [tilespmem:s5+$0x6400]  }
0x146: {  	v8 =	vand.u32 $0x7E, v5  }
0x147: {  	v9 =	vadd.s32 v0, v8;
	_ =	sdelay $0x2  }
0x148: {  	v5 =	vld [tilespmem:s5+$0x6410];
	v10 =	vadd.f32 v7, v4  }
0x149: {  	v6 =	vld [tilespmem:s5+$0x6420]  }
0x14a: {  	v7 =	vld [tilespmem:s5+$0x6430];
	[tilespmem:v9+s25+$0x0] =	vst.idx.msk $0xffff, v10  }
0x14b: {  	v9 =	vld [tilespmem:s12+$0xFFFFFFD0];
	_ =	sdelay $0x1  }
0x14c: {  	v10 =	vadd.s32 v1, v8;
	_ =	sdelay $0x2  }
0x14d: {  	v9 =	vadd.f32 v9, v5;
	_ =	sdelay $0x1  }
0x14e: {  	[tilespmem:v10+s25+$0x0] =	vst.idx.msk $0xffff, v9  }
0x14f: {  	v9 =	vld [tilespmem:s12+$0xFFFFFFE0];
	_ =	sdelay $0x1  }
0x150: {  	v10 =	vadd.s32 v2, v8;
	_ =	sdelay $0x2  }
0x151: {  	v9 =	vadd.f32 v9, v6;
	_ =	sdelay $0x1  }
0x152: {  	[tilespmem:v10+s25+$0x0] =	vst.idx.msk $0xffff, v9  }
0x153: {  	v9 =	vld [tilespmem:s12+$0xFFFFFFF0];
	_ =	sdelay $0x1  }
0x154: {  	v8 =	vadd.s32 v3, v8;
	_ =	sdelay $0x2  }
0x155: {  	v9 =	vadd.f32 v9, v7;
	_ =	sdelay $0x1  }
0x156: {  	s30 =	simm.s32 $0x1;
	[tilespmem:v8+s25+$0x0] =	vst.idx.msk $0xffff, v9  }
0x157: {  	v8 =	vmov s30;
	v9 =	vld [tilespmem:s12+$0x0]  }
0x158: {  	v8 =	vand.u32 $0x7F, v8  }
0x159: {  	v10 =	vadd.s32 v0, v8;
	_ =	sdelay $0x2  }
0x15a: {  	v9 =	vadd.f32 v9, v4;
	_ =	sdelay $0x1  }
0x15b: {  	[tilespmem:v10+s25+$0x0] =	vst.idx.msk $0xffff, v9  }
0x15c: {  	v9 =	vld [tilespmem:s12+$0x10];
	_ =	sdelay $0x1  }
0x15d: {  	v10 =	vadd.s32 v1, v8;
	_ =	sdelay $0x2  }
0x15e: {  	v9 =	vadd.f32 v9, v5;
	_ =	sdelay $0x1  }
0x15f: {  	[tilespmem:v10+s25+$0x0] =	vst.idx.msk $0xffff, v9  }
0x160: {  	v9 =	vld [tilespmem:s12+$0x20];
	_ =	sdelay $0x1  }
0x161: {  	v10 =	vadd.s32 v2, v8;
	_ =	sdelay $0x2  }
0x162: {  	v9 =	vadd.f32 v9, v6;
	_ =	sdelay $0x1  }
0x163: {  	[tilespmem:v10+s25+$0x0] =	vst.idx.msk $0xffff, v9  }
0x164: {  	v9 =	vld [tilespmem:s12+$0x30];
	_ =	sdelay $0x1  }
0x165: {  	v8 =	vadd.s32 v3, v8;
	_ =	sdelay $0x2  }
0x166: {  	s5 =	simm.s32 $0x2;
	v9 =	vadd.f32 v9, v7  }
.LBB2_19:
0x167: {  	p2 =	sne.s32 s5, $0x7E  }
0x168: {  	s12 =	sadd.s32 $0x80, s12;
	s6 =	smov.u32 s5;
	s5 =	sadd.s32 $0x2, s5;
	[tilespmem:v8+s25+$0x0] =	vst.idx.msk $0xffff, v9  }
0x169: {  	v8 =	vmov s6;
	v9 =	vld [tilespmem:s12+$0xFFFFFFC0]  }
0x16a: {  	v8 =	vand.u32 $0x7E, v8  }
0x16b: {  	v10 =	vadd.s32 v0, v8;
	_ =	sdelay $0x2  }
0x16c: {  	v9 =	vadd.f32 v9, v4;
	_ =	sdelay $0x1  }
0x16d: {  	[tilespmem:v10+s25+$0x0] =	vst.idx.msk $0xffff, v9  }
0x16e: {  	v9 =	vld [tilespmem:s12+$0xFFFFFFD0];
	_ =	sdelay $0x1  }
0x16f: {  	v10 =	vadd.s32 v1, v8;
	_ =	sdelay $0x2  }
0x170: {  	v9 =	vadd.f32 v9, v5;
	_ =	sdelay $0x1  }
0x171: {  	[tilespmem:v10+s25+$0x0] =	vst.idx.msk $0xffff, v9  }
0x172: {  	v9 =	vld [tilespmem:s12+$0xFFFFFFE0];
	_ =	sdelay $0x1  }
0x173: {  	v10 =	vadd.s32 v2, v8;
	_ =	sdelay $0x2  }
0x174: {  	v9 =	vadd.f32 v9, v6;
	_ =	sdelay $0x1  }
0x175: {  	[tilespmem:v10+s25+$0x0] =	vst.idx.msk $0xffff, v9  }
0x176: {  	v9 =	vld [tilespmem:s12+$0xFFFFFFF0];
	_ =	sdelay $0x1  }
0x177: {  	v8 =	vadd.s32 v3, v8;
	_ =	sdelay $0x2  }
0x178: {  	v9 =	vadd.f32 v9, v7;
	_ =	sdelay $0x1  }
0x179: {  	s6 =	sadd.s32 $0x1, s6;
	[tilespmem:v8+s25+$0x0] =	vst.idx.msk $0xffff, v9  }
0x17a: {  	v8 =	vmov s6;
	v9 =	vld [tilespmem:s12+$0x0]  }
0x17b: {  	v8 =	vand.u32 $0x7F, v8  }
0x17c: {  	v10 =	vadd.s32 v0, v8;
	_ =	sdelay $0x2  }
0x17d: {  	v9 =	vadd.f32 v9, v4;
	_ =	sdelay $0x1  }
0x17e: {  	[tilespmem:v10+s25+$0x0] =	vst.idx.msk $0xffff, v9  }
0x17f: {  	v9 =	vld [tilespmem:s12+$0x10];
	_ =	sdelay $0x1  }
0x180: {  	v10 =	vadd.s32 v1, v8;
	_ =	sdelay $0x2  }
0x181: {  	v9 =	vadd.f32 v9, v5;
	_ =	sdelay $0x1  }
0x182: {  	[tilespmem:v10+s25+$0x0] =	vst.idx.msk $0xffff, v9  }
0x183: {  	v9 =	vld [tilespmem:s12+$0x20];
	_ =	sdelay $0x1  }
0x184: {  	v10 =	vadd.s32 v2, v8;
	_ =	sdelay $0x2  }
0x185: {  	v9 =	vadd.f32 v9, v6;
	_ =	sdelay $0x1  }
0x186: {  	[tilespmem:v10+s25+$0x0] =	vst.idx.msk $0xffff, v9  }
0x187: {  	v9 =	vld [tilespmem:s12+$0x30]  }
.Ltmp10:
0x188: {  	(pc) =	sbr.rel @p2 .LBB2_19-.Ltmp10, $2  }
0x189: {  	v8 =	vadd.s32 v3, v8;
	_ =	sdelay $0x2  }
0x18a: {  	v9 =	vadd.f32 v9, v7  }
0x18b: {  	_ = 	snop  }
0x18c: {  	s5 =	sshll.u32 s10, $0x12  }
0x18d: {  	s5 =	sor.u32 s7, s5  }
0x18e: {  	s5 =	sshrl.u32 s5, $0x3  }
0x18f: {  	s8 =	simm.s32 $0x15A00;
	[tilespmem:v8+s25+$0x0] =	vst.idx.msk $0xffff, v9;
	s10 =	sadd.s32 s2, s5  }
0x190: {  	[hbm4b:s10+s3] =	stream.linear.scatter [tilespmem:s8], [sflag:$0x7], $0x80, $0x38;
	[tilespmem:$0x19E00] =	vst v63  }
0x191: {  	s12 =	simm.s32 $0x15A88;
	s6 =	sadd.s32 $0x10, s10  }
0x192: {  	[hbm4b:s6+s3] =	stream.linear.scatter [tilespmem:s12], [sflag:$0x7], $0x80, $0x38;
	[tilespmem:$0x19E00] =	vst v63  }
0x193: {  	s15 =	simm.s32 $0x15B10;
	s5 =	simm.s32 $0x440;
	s30 =	sadd.s32 $0x20, s10  }
0x194: {  	[hbm4b:s30+s3] =	stream.linear.scatter [tilespmem:s15], [sflag:$0x7], $0x80, $0x38;
	[tilespmem:$0x19E00] =	vst v63  }
0x195: {  	s8 =	simm.s32 $0x15B98;
	s12 =	sadd.s32 $0x30, s10;
	s6 =	simm.s32 $0x15DB8  }
0x196: {  	[hbm4b:s12+s3] =	stream.linear.scatter [tilespmem:s8], [sflag:$0x7], $0x80, $0x38;
	[tilespmem:$0x19E00] =	vst v63  }
0x197: {  	s15 =	simm.s32 $0x15C20;
	s30 =	sadd.s32 $0x40, s10;
	s8 =	simm.s32 $0x15CA8  }
0x198: {  	[hbm4b:s30+s3] =	stream.linear.scatter [tilespmem:s15], [sflag:$0x7], $0x80, $0x38;
	[tilespmem:$0x19E00] =	vst v63  }
0x199: {  	s12 =	sadd.s32 $0x50, s10;
	s15 =	simm.s32 $0x15D30;
	s30 =	sadd.s32 $0x60, s10  }
0x19a: {  	[hbm4b:s12+s3] =	stream.linear.scatter [tilespmem:s8], [sflag:$0x7], $0x80, $0x38;
	[tilespmem:$0x19E00] =	vst v63  }
0x19b: {  	s12 =	simm.s32 $0x2200;
	s8 =	sadd.s32 $0x70, s10;
	s10 =	sadd.s32 $0x1000, s10  }
0x19c: {  	[hbm4b:s30+s3] =	stream.linear.scatter [tilespmem:s15], [sflag:$0x7], $0x80, $0x38;
	[tilespmem:$0x19E00] =	vst v63  }
.LBB2_21:
0x19d: {  	[hbm4b:s8+s3] =	stream.linear.scatter [tilespmem:s6], [sflag:$0x7], $0x80, $0x38;
	[tilespmem:$0x19E00] =	vst v63  }
0x19e: {  	s6 =	smov.u32 s5;
	s5 =	smov.u32 s12  }
0x19f: {  	s15 =	sadd.s32 $0x1100, s12;
	s5 =	sshra.s32 s5, $0x2;
	s8 =	sadd.s32 $0x15A00, s6  }
0x1a0: {  	[hbm4b:s10+s3] =	stream.linear.scatter [tilespmem:s8], [sflag:$0x7], $0x80, $0x38;
	[tilespmem:$0x19E00] =	vst v63  }
0x1a1: {  	p2 =	sne.s32 s12, $0x7700;
	s12 =	sadd.s32 $0x10, s10;
	s8 =	sadd.s32 $0x15A88, s6  }
0x1a2: {  	[hbm4b:s12+s3] =	stream.linear.scatter [tilespmem:s8], [sflag:$0x7], $0x80, $0x38;
	[tilespmem:$0x19E00] =	vst v63  }
0x1a3: {  	s8 =	sadd.s32 $0x15B10, s6;
	s12 =	sadd.s32 $0x20, s10  }
0x1a4: {  	[hbm4b:s12+s3] =	stream.linear.scatter [tilespmem:s8], [sflag:$0x7], $0x80, $0x38;
	[tilespmem:$0x19E00] =	vst v63  }
0x1a5: {  	s8 =	sadd.s32 $0x15B98, s6;
	s12 =	sadd.s32 $0x30, s10  }
0x1a6: {  	[hbm4b:s12+s3] =	stream.linear.scatter [tilespmem:s8], [sflag:$0x7], $0x80, $0x38;
	[tilespmem:$0x19E00] =	vst v63  }
0x1a7: {  	s8 =	sadd.s32 $0x15C20, s6;
	s12 =	sadd.s32 $0x40, s10  }
0x1a8: {  	[hbm4b:s12+s3] =	stream.linear.scatter [tilespmem:s8], [sflag:$0x7], $0x80, $0x38;
	[tilespmem:$0x19E00] =	vst v63  }
.Ltmp11:
0x1a9: {  	s8 =	sadd.s32 $0x15CA8, s6;
	s12 =	sadd.s32 $0x50, s10;
	(pc) =	sbr.rel @p2 .LBB2_21-.Ltmp11, $4  }
0x1aa: {  	[hbm4b:s12+s3] =	stream.linear.scatter [tilespmem:s8], [sflag:$0x7], $0x80, $0x38;
	[tilespmem:$0x19E00] =	vst v63  }
0x1ab: {  	s8 =	sadd.s32 $0x15D30, s6;
	s12 =	sadd.s32 $0x60, s10;
	s6 =	sadd.s32 $0x15DB8, s6  }
0x1ac: {  	[hbm4b:s12+s3] =	stream.linear.scatter [tilespmem:s8], [sflag:$0x7], $0x80, $0x38;
	[tilespmem:$0x19E00] =	vst v63  }
0x1ad: {  	s8 =	sadd.s32 $0x70, s10;
	s10 =	sadd.s32 $0x1000, s10;
	s12 =	smov.u32 s15  }
0x1ae: {  	[hbm4b:s8+s3] =	stream.linear.scatter [tilespmem:s6], [sflag:$0x7], $0x80, $0x38;
	[tilespmem:$0x19E00] =	vst v63  }
0x1af: {  	s12 =	sadd.s32 $0x15A00, s5  }
0x1b0: {  	[hbm4b:s10+s3] =	stream.linear.scatter [tilespmem:s12], [sflag:$0x7], $0x80, $0x38;
	[tilespmem:$0x19E00] =	vst v63  }
0x1b1: {  	s15 =	sadd.s32 $0x15A88, s5;
	s30 =	sadd.s32 $0x10, s10  }
0x1b2: {  	[hbm4b:s30+s3] =	stream.linear.scatter [tilespmem:s15], [sflag:$0x7], $0x80, $0x38;
	[tilespmem:$0x19E00] =	vst v63  }
0x1b3: {  	s8 =	sadd.s32 $0x15B10, s5;
	s12 =	sadd.s32 $0x20, s10  }
0x1b4: {  	[hbm4b:s12+s3] =	stream.linear.scatter [tilespmem:s8], [sflag:$0x7], $0x80, $0x38;
	[tilespmem:$0x19E00] =	vst v63  }
0x1b5: {  	s15 =	sadd.s32 $0x15B98, s5;
	s30 =	sadd.s32 $0x30, s10  }
0x1b6: {  	[hbm4b:s30+s3] =	stream.linear.scatter [tilespmem:s15], [sflag:$0x7], $0x80, $0x38;
	[tilespmem:$0x19E00] =	vst v63  }
0x1b7: {  	s8 =	sadd.s32 $0x15C20, s5;
	s12 =	sadd.s32 $0x40, s10  }
0x1b8: {  	[hbm4b:s12+s3] =	stream.linear.scatter [tilespmem:s8], [sflag:$0x7], $0x80, $0x38;
	[tilespmem:$0x19E00] =	vst v63  }
0x1b9: {  	s15 =	sadd.s32 $0x15CA8, s5;
	s30 =	sadd.s32 $0x50, s10  }
0x1ba: {  	[hbm4b:s30+s3] =	stream.linear.scatter [tilespmem:s15], [sflag:$0x7], $0x80, $0x38;
	[tilespmem:$0x19E00] =	vst v63  }
.Ltmp12:
0x1bb: {  	_ = 	snop;
	(pc) =	sbr.rel @p1 .LBB2_24-.Ltmp12, $4  }
0x1bc: {  	s8 =	sadd.s32 $0x15D30, s5;
	s12 =	sadd.s32 $0x60, s10  }
0x1bd: {  	[hbm4b:s12+s3] =	stream.linear.scatter [tilespmem:s8], [sflag:$0x7], $0x80, $0x38;
	[tilespmem:$0x19E00] =	vst v63  }
0x1be: {  	s15 =	sadd.s32 $0x15DB8, s5;
	s30 =	sadd.s32 $0x70, s10  }
0x1bf: {  	[hbm4b:s30+s3] =	stream.linear.scatter [tilespmem:s15], [sflag:$0x7], $0x80, $0x38;
	[tilespmem:$0x19E00] =	vst v63  }
.Ltmp13:
0x1c0: {  	(pc) =	sbr.rel .LBB2_25-.Ltmp13, $4  }
0x1c1: {  	_ = 	snop  }
0x1c2: {  	_ =	swait.ge [sflag:s26], $0x2000  }
0x1c3: {  	[sflag:s26] =	ssyncset.done $0x0  }
0x1c4: {  	[sflag:s26] =	ssyncadd.s32 $0xFFFFE000  }
.LBB2_24:
0x1c5: {  	s5 =	sshll.u32 s0, $0x9  }
0x1c6: {  	s5 =	sand.u32 $0x3FFFFE00, s5  }
.Ltmp14:
0x1c7: {  	s5 =	sadd.s32 $0x300, s5;
	(pc) =	sbr.rel @p0 .LBB2_26-.Ltmp14, $4  }
0x1c8: {  	[tilespmem:s16], [sflag:$0x3] =	stream.indirect.gather [hbm4b:s4+s9], $0x40, s5, s9, $0xb8;
	[tilespmem:$0x19E00] =	vst v63  }
0x1c9: {  	_ =	swait.ge [sflag:s26], $0x2000  }
0x1ca: {  	[sflag:s26] =	ssyncset.done $0x0  }
0x1cb: {  	[sflag:s26] =	ssyncadd.s32 $0xFFFFE000  }
.LBB2_25:
0x1cc: {  	_ =	swait.ge [sflag:s28], $0x2000  }
0x1cd: {  	[sflag:s28] =	ssyncset.done $0x0  }
0x1ce: {  	[sflag:s28] =	ssyncadd.s32 $0xFFFFE000  }
.LBB2_26:
0x1cf: {  	s5 =	sshll.u32 s1, $0x6;
	s10 =	simm.s32 $0xF640  }
0x1d0: {  	s6 =	simm.s32 $0x0;
	s5 =	sand.u32 $0x3FFFFFC0, s5;
	v7 =	vld [tilespmem:s10+$0xFFFFFFC0]  }
0x1d1: {  	v5 =	vmov s6;
	v4 =	vld [tilespmem:s5+$0x6400]  }
0x1d2: {  	v8 =	vand.u32 $0x7E, v5  }
0x1d3: {  	v9 =	vadd.s32 v0, v8;
	_ =	sdelay $0x2  }
0x1d4: {  	v5 =	vld [tilespmem:s5+$0x6410];
	v10 =	vadd.f32 v7, v4  }
0x1d5: {  	v6 =	vld [tilespmem:s5+$0x6420]  }
0x1d6: {  	v7 =	vld [tilespmem:s5+$0x6430];
	[tilespmem:v9+s29+$0x0] =	vst.idx.msk $0xffff, v10  }
0x1d7: {  	v9 =	vld [tilespmem:s10+$0xFFFFFFD0];
	_ =	sdelay $0x1  }
0x1d8: {  	v10 =	vadd.s32 v1, v8;
	_ =	sdelay $0x2  }
0x1d9: {  	v9 =	vadd.f32 v9, v5;
	_ =	sdelay $0x1  }
0x1da: {  	[tilespmem:v10+s29+$0x0] =	vst.idx.msk $0xffff, v9  }
0x1db: {  	v9 =	vld [tilespmem:s10+$0xFFFFFFE0];
	_ =	sdelay $0x1  }
0x1dc: {  	v10 =	vadd.s32 v2, v8;
	_ =	sdelay $0x2  }
0x1dd: {  	v9 =	vadd.f32 v9, v6;
	_ =	sdelay $0x1  }
0x1de: {  	[tilespmem:v10+s29+$0x0] =	vst.idx.msk $0xffff, v9  }
0x1df: {  	v9 =	vld [tilespmem:s10+$0xFFFFFFF0];
	_ =	sdelay $0x1  }
0x1e0: {  	v8 =	vadd.s32 v3, v8;
	_ =	sdelay $0x2  }
0x1e1: {  	v9 =	vadd.f32 v9, v7;
	_ =	sdelay $0x1  }
0x1e2: {  	s30 =	simm.s32 $0x1;
	[tilespmem:v8+s29+$0x0] =	vst.idx.msk $0xffff, v9  }
0x1e3: {  	v8 =	vmov s30;
	v9 =	vld [tilespmem:s10+$0x0]  }
0x1e4: {  	v8 =	vand.u32 $0x7F, v8  }
0x1e5: {  	v10 =	vadd.s32 v0, v8;
	_ =	sdelay $0x2  }
0x1e6: {  	v9 =	vadd.f32 v9, v4;
	_ =	sdelay $0x1  }
0x1e7: {  	[tilespmem:v10+s29+$0x0] =	vst.idx.msk $0xffff, v9  }
0x1e8: {  	v9 =	vld [tilespmem:s10+$0x10];
	_ =	sdelay $0x1  }
0x1e9: {  	v10 =	vadd.s32 v1, v8;
	_ =	sdelay $0x2  }
0x1ea: {  	v9 =	vadd.f32 v9, v5;
	_ =	sdelay $0x1  }
0x1eb: {  	[tilespmem:v10+s29+$0x0] =	vst.idx.msk $0xffff, v9  }
0x1ec: {  	v9 =	vld [tilespmem:s10+$0x20];
	_ =	sdelay $0x1  }
0x1ed: {  	v10 =	vadd.s32 v2, v8;
	_ =	sdelay $0x2  }
0x1ee: {  	v9 =	vadd.f32 v9, v6;
	_ =	sdelay $0x1  }
0x1ef: {  	[tilespmem:v10+s29+$0x0] =	vst.idx.msk $0xffff, v9  }
0x1f0: {  	v9 =	vld [tilespmem:s10+$0x30];
	_ =	sdelay $0x1  }
0x1f1: {  	v8 =	vadd.s32 v3, v8;
	_ =	sdelay $0x2  }
0x1f2: {  	s5 =	simm.s32 $0x2;
	v9 =	vadd.f32 v9, v7  }
.LBB2_27:
0x1f3: {  	p0 =	sne.s32 s5, $0x7E  }
0x1f4: {  	s10 =	sadd.s32 $0x80, s10;
	s6 =	smov.u32 s5;
	s5 =	sadd.s32 $0x2, s5;
	[tilespmem:v8+s29+$0x0] =	vst.idx.msk $0xffff, v9  }
0x1f5: {  	v8 =	vmov s6;
	v9 =	vld [tilespmem:s10+$0xFFFFFFC0]  }
0x1f6: {  	v8 =	vand.u32 $0x7E, v8  }
0x1f7: {  	v10 =	vadd.s32 v0, v8;
	_ =	sdelay $0x2  }
0x1f8: {  	v9 =	vadd.f32 v9, v4;
	_ =	sdelay $0x1  }
0x1f9: {  	[tilespmem:v10+s29+$0x0] =	vst.idx.msk $0xffff, v9  }
0x1fa: {  	v9 =	vld [tilespmem:s10+$0xFFFFFFD0];
	_ =	sdelay $0x1  }
0x1fb: {  	v10 =	vadd.s32 v1, v8;
	_ =	sdelay $0x2  }
0x1fc: {  	v9 =	vadd.f32 v9, v5;
	_ =	sdelay $0x1  }
0x1fd: {  	[tilespmem:v10+s29+$0x0] =	vst.idx.msk $0xffff, v9  }
0x1fe: {  	v9 =	vld [tilespmem:s10+$0xFFFFFFE0];
	_ =	sdelay $0x1  }
0x1ff: {  	v10 =	vadd.s32 v2, v8;
	_ =	sdelay $0x2  }
0x200: {  	v9 =	vadd.f32 v9, v6;
	_ =	sdelay $0x1  }
0x201: {  	[tilespmem:v10+s29+$0x0] =	vst.idx.msk $0xffff, v9  }
0x202: {  	v9 =	vld [tilespmem:s10+$0xFFFFFFF0];
	_ =	sdelay $0x1  }
0x203: {  	v8 =	vadd.s32 v3, v8;
	_ =	sdelay $0x2  }
0x204: {  	v9 =	vadd.f32 v9, v7;
	_ =	sdelay $0x1  }
0x205: {  	s6 =	sadd.s32 $0x1, s6;
	[tilespmem:v8+s29+$0x0] =	vst.idx.msk $0xffff, v9  }
0x206: {  	v8 =	vmov s6;
	v9 =	vld [tilespmem:s10+$0x0]  }
0x207: {  	v8 =	vand.u32 $0x7F, v8  }
0x208: {  	v10 =	vadd.s32 v0, v8;
	_ =	sdelay $0x2  }
0x209: {  	v9 =	vadd.f32 v9, v4;
	_ =	sdelay $0x1  }
0x20a: {  	[tilespmem:v10+s29+$0x0] =	vst.idx.msk $0xffff, v9  }
0x20b: {  	v9 =	vld [tilespmem:s10+$0x10];
	_ =	sdelay $0x1  }
0x20c: {  	v10 =	vadd.s32 v1, v8;
	_ =	sdelay $0x2  }
0x20d: {  	v9 =	vadd.f32 v9, v5;
	_ =	sdelay $0x1  }
0x20e: {  	[tilespmem:v10+s29+$0x0] =	vst.idx.msk $0xffff, v9  }
0x20f: {  	v9 =	vld [tilespmem:s10+$0x20];
	_ =	sdelay $0x1  }
0x210: {  	v10 =	vadd.s32 v2, v8;
	_ =	sdelay $0x2  }
0x211: {  	v9 =	vadd.f32 v9, v6;
	_ =	sdelay $0x1  }
0x212: {  	[tilespmem:v10+s29+$0x0] =	vst.idx.msk $0xffff, v9  }
0x213: {  	v9 =	vld [tilespmem:s10+$0x30]  }
.Ltmp15:
0x214: {  	(pc) =	sbr.rel @p0 .LBB2_27-.Ltmp15, $2  }
0x215: {  	v8 =	vadd.s32 v3, v8;
	_ =	sdelay $0x2  }
0x216: {  	v9 =	vadd.f32 v9, v7  }
0x217: {  	_ = 	snop  }
0x218: {  	s1 =	sshll.u32 s1, $0x12  }
0x219: {  	s1 =	sor.u32 s7, s1  }
0x21a: {  	s1 =	sshrl.u32 s1, $0x3  }
0x21b: {  	s6 =	simm.s32 $0x17C00;
	[tilespmem:v8+s29+$0x0] =	vst.idx.msk $0xffff, v9;
	s5 =	sadd.s32 s2, s1  }
0x21c: {  	[hbm4b:s5+s3] =	stream.linear.scatter [tilespmem:s6], [sflag:$0x8], $0x80, $0x38;
	[tilespmem:$0x19E00] =	vst v63  }
0x21d: {  	s8 =	simm.s32 $0x17C88;
	s6 =	sadd.s32 $0x10, s5  }
0x21e: {  	[hbm4b:s6+s3] =	stream.linear.scatter [tilespmem:s8], [sflag:$0x8], $0x80, $0x38;
	[tilespmem:$0x19E00] =	vst v63  }
0x21f: {  	s10 =	simm.s32 $0x17D10;
	s15 =	simm.s32 $0x17D98;
	s12 =	sadd.s32 $0x20, s5  }
0x220: {  	[hbm4b:s12+s3] =	stream.linear.scatter [tilespmem:s10], [sflag:$0x8], $0x80, $0x38;
	[tilespmem:$0x19E00] =	vst v63  }
0x221: {  	s1 =	simm.s32 $0x440;
	s30 =	sadd.s32 $0x30, s5;
	s6 =	simm.s32 $0x17E20  }
0x222: {  	[hbm4b:s30+s3] =	stream.linear.scatter [tilespmem:s15], [sflag:$0x8], $0x80, $0x38;
	[tilespmem:$0x19E00] =	vst v63  }
0x223: {  	s8 =	sadd.s32 $0x40, s5;
	s10 =	simm.s32 $0x17EA8;
	s12 =	sadd.s32 $0x50, s5  }
0x224: {  	[hbm4b:s8+s3] =	stream.linear.scatter [tilespmem:s6], [sflag:$0x8], $0x80, $0x38;
	[tilespmem:$0x19E00] =	vst v63  }
0x225: {  	s15 =	simm.s32 $0x17F30;
	s30 =	sadd.s32 $0x60, s5;
	s6 =	simm.s32 $0x17FB8  }
0x226: {  	[hbm4b:s12+s3] =	stream.linear.scatter [tilespmem:s10], [sflag:$0x8], $0x80, $0x38;
	[tilespmem:$0x19E00] =	vst v63  }
0x227: {  	s8 =	sadd.s32 $0x70, s5;
	s5 =	sadd.s32 $0x1000, s5;
	s10 =	simm.s32 $0x2200  }
0x228: {  	[hbm4b:s30+s3] =	stream.linear.scatter [tilespmem:s15], [sflag:$0x8], $0x80, $0x38;
	[tilespmem:$0x19E00] =	vst v63  }
.LBB2_29:
0x229: {  	[hbm4b:s8+s3] =	stream.linear.scatter [tilespmem:s6], [sflag:$0x8], $0x80, $0x38;
	[tilespmem:$0x19E00] =	vst v63  }
0x22a: {  	s6 =	smov.u32 s1;
	s1 =	smov.u32 s10  }
0x22b: {  	s12 =	sadd.s32 $0x1100, s10;
	s1 =	sshra.s32 s1, $0x2;
	s8 =	sadd.s32 $0x17C00, s6  }
0x22c: {  	[hbm4b:s5+s3] =	stream.linear.scatter [tilespmem:s8], [sflag:$0x8], $0x80, $0x38;
	[tilespmem:$0x19E00] =	vst v63  }
0x22d: {  	p0 =	sne.s32 s10, $0x7700;
	s10 =	sadd.s32 $0x10, s5;
	s8 =	sadd.s32 $0x17C88, s6  }
0x22e: {  	[hbm4b:s10+s3] =	stream.linear.scatter [tilespmem:s8], [sflag:$0x8], $0x80, $0x38;
	[tilespmem:$0x19E00] =	vst v63  }
0x22f: {  	s8 =	sadd.s32 $0x17D10, s6;
	s10 =	sadd.s32 $0x20, s5  }
0x230: {  	[hbm4b:s10+s3] =	stream.linear.scatter [tilespmem:s8], [sflag:$0x8], $0x80, $0x38;
	[tilespmem:$0x19E00] =	vst v63  }
0x231: {  	s8 =	sadd.s32 $0x17D98, s6;
	s10 =	sadd.s32 $0x30, s5  }
0x232: {  	[hbm4b:s10+s3] =	stream.linear.scatter [tilespmem:s8], [sflag:$0x8], $0x80, $0x38;
	[tilespmem:$0x19E00] =	vst v63  }
0x233: {  	s8 =	sadd.s32 $0x17E20, s6;
	s10 =	sadd.s32 $0x40, s5  }
0x234: {  	[hbm4b:s10+s3] =	stream.linear.scatter [tilespmem:s8], [sflag:$0x8], $0x80, $0x38;
	[tilespmem:$0x19E00] =	vst v63  }
.Ltmp16:
0x235: {  	s8 =	sadd.s32 $0x17EA8, s6;
	s10 =	sadd.s32 $0x50, s5;
	(pc) =	sbr.rel @p0 .LBB2_29-.Ltmp16, $4  }
0x236: {  	[hbm4b:s10+s3] =	stream.linear.scatter [tilespmem:s8], [sflag:$0x8], $0x80, $0x38;
	[tilespmem:$0x19E00] =	vst v63  }
0x237: {  	s8 =	sadd.s32 $0x17F30, s6;
	s10 =	sadd.s32 $0x60, s5;
	s6 =	sadd.s32 $0x17FB8, s6  }
0x238: {  	[hbm4b:s10+s3] =	stream.linear.scatter [tilespmem:s8], [sflag:$0x8], $0x80, $0x38;
	[tilespmem:$0x19E00] =	vst v63  }
0x239: {  	s8 =	sadd.s32 $0x70, s5;
	s5 =	sadd.s32 $0x1000, s5;
	s10 =	smov.u32 s12  }
0x23a: {  	[hbm4b:s8+s3] =	stream.linear.scatter [tilespmem:s6], [sflag:$0x8], $0x80, $0x38;
	[tilespmem:$0x19E00] =	vst v63  }
0x23b: {  	s12 =	sadd.s32 $0x17C00, s1  }
0x23c: {  	[hbm4b:s5+s3] =	stream.linear.scatter [tilespmem:s12], [sflag:$0x8], $0x80, $0x38;
	[tilespmem:$0x19E00] =	vst v63  }
0x23d: {  	s15 =	sadd.s32 $0x17C88, s1;
	s30 =	sadd.s32 $0x10, s5  }
0x23e: {  	[hbm4b:s30+s3] =	stream.linear.scatter [tilespmem:s15], [sflag:$0x8], $0x80, $0x38;
	[tilespmem:$0x19E00] =	vst v63  }
0x23f: {  	s10 =	sadd.s32 $0x17D10, s1;
	s12 =	sadd.s32 $0x20, s5  }
0x240: {  	[hbm4b:s12+s3] =	stream.linear.scatter [tilespmem:s10], [sflag:$0x8], $0x80, $0x38;
	[tilespmem:$0x19E00] =	vst v63  }
0x241: {  	s15 =	sadd.s32 $0x17D98, s1;
	s30 =	sadd.s32 $0x30, s5  }
0x242: {  	[hbm4b:s30+s3] =	stream.linear.scatter [tilespmem:s15], [sflag:$0x8], $0x80, $0x38;
	[tilespmem:$0x19E00] =	vst v63  }
0x243: {  	s0 =	sadd.s32 $0x1, s0;
	s10 =	sadd.s32 $0x17E20, s1;
	s12 =	sadd.s32 $0x40, s5  }
0x244: {  	[hbm4b:s12+s3] =	stream.linear.scatter [tilespmem:s10], [sflag:$0x8], $0x80, $0x38;
	[tilespmem:$0x19E00] =	vst v63  }
0x245: {  	p0 =	sne.s32 s0, $0x32;
	s15 =	sadd.s32 $0x17EA8, s1;
	s30 =	sadd.s32 $0x50, s5  }
0x246: {  	[hbm4b:s30+s3] =	stream.linear.scatter [tilespmem:s15], [sflag:$0x8], $0x80, $0x38;
	[tilespmem:$0x19E00] =	vst v63  }
.Ltmp17:
0x247: {  	_ = 	snop;
	(pc) =	sbr.rel @p0 .LBB2_2-.Ltmp17, $4  }
0x248: {  	s10 =	sadd.s32 $0x17F30, s1;
	s12 =	sadd.s32 $0x60, s5  }
0x249: {  	[hbm4b:s12+s3] =	stream.linear.scatter [tilespmem:s10], [sflag:$0x8], $0x80, $0x38;
	[tilespmem:$0x19E00] =	vst v63  }
0x24a: {  	s15 =	sadd.s32 $0x17FB8, s1;
	s30 =	sadd.s32 $0x70, s5  }
0x24b: {  	[hbm4b:s30+s3] =	stream.linear.scatter [tilespmem:s15], [sflag:$0x8], $0x80, $0x38;
	[tilespmem:$0x19E00] =	vst v63  }
0x24c: {  	s0 =	simm.s32 $0x5  }
0x24d: {  	_ =	swait.ge [sflag:s0], $0x2000  }
0x24e: {  	[sflag:s0] =	ssyncset.done $0x0  }
0x24f: {  	[sflag:s0] =	ssyncadd.s32 $0xFFFFE000  }
0x250: {  	_ =	swait.ge [sflag:s21], $0x2000  }
0x251: {  	[sflag:s21] =	ssyncset.done $0x0  }
0x252: {  	[sflag:s21] =	ssyncadd.s32 $0xFFFFE000  }
0x253: {  	_ =	swait.ge [sflag:s24], $0x2000  }
0x254: {  	[sflag:s24] =	ssyncset.done $0x0  }
0x255: {  	[sflag:s24] =	ssyncadd.s32 $0xFFFFE000  }
0x256: {  	_ =	swait.ge [sflag:s28], $0x2000  }
0x257: {  	s31 =	sadd.s32 $0x1, s31;
	s30 =	rddreg [dreg:$0x5]  }
0x258: {  	p0 =	sne.s32 s31, s30  }
.Ltmp18:
0x259: {  	_ = 	snop;
	(pc) =	sbr.rel @p0 .LBB2_1-.Ltmp18, $3  }
0x25a: {  	_ =	sdelay $0x1  }
0x25b: {  	[sflag:s28] =	ssyncset.done $0x0  }
0x25c: {  	[sflag:s28] =	ssyncadd.s32 $0xFFFFE000  }
0x25d: {  	_ =	sfence.sel $0x180000  }
0x25e: {  	[bflag:$0x0] =	sbarrier.arrive $0xFFFF  }
0x25f: {  	_ =	strace $0x90000047  }
0x260: {  	s0 =	stileid.u32;
	[bflag:$0x2] =	sbarrier.arrive $0xFFFF  }
0x261: {  	p0 =	sne.s32 s0, $0x0;
	s0 =	rddreg [dreg:$0x2]  }
0x262: {  	s0 =	sadd.s32 @!p0 $0x100000, s0  }
0x263: {  	[sflag:s0] =	ssyncadd.tile.s32 @!p0 $0x1;
	_ =	shalt  }
.Lfunc_end2:
_tile_overlayer_lowered:
.L_overlay_start_2:
0x264: {  	(tag) =	ssettag $0x2  }
0x265: {  	s0 =	rddreg [dreg:$0x0];
	s2 =	stileid.u32  }
0x266: {  	s1 =	rddreg [dreg:$0x1];
	p0 =	sne.s32 s2, $0x0  }
0x267: {  	s3 =	rddreg [dreg:$0x2];
	[bflag:$0x3] =	sbarrier.arrive $0xFFFF;
	s2 =	simm.s32 @!p0 $0x1C09  }
0x268: {  	[timem:s3], [sflag:s2] =	dma.local @!p0 [hbm:s0], s1  }
0x269: {  	s0 =	simm.s32 @!p0 $0x9  }
0x26a: {  	_ =	swait.ge @!p0 [sflag:s0], s1  }
0x26b: {  	s1 =	ssub.s32 @!p0 $0x0, s1;
	[sflag:s0] =	ssyncset.done @!p0 $0x0  }
0x26c: {  	[sflag:s0] =	ssyncadd.s32 @!p0 s1  }
0x26d: {  	[bflag:$0x3] =	sbarrier.arrive $0xFFFF  }
0x26e: {  	_ =	shalt  }

</sc_bundles>
